<compile_context>
chip_gen: v7x
topology: tpu7x:2x2x1
jax: 0.10.2.dev20260603
libtpu: 0.0.44.dev20260713+nightly
codegen_flags: <defaults>
</compile_context>

<pallas_src>
import functools

import jax
import jax.numpy as jnp
from jax import lax
from jax.experimental import pallas as pl
from jax.experimental.pallas import tpu as pltpu
from jax.experimental.pallas import tpu_sc as plsc

NN = 10000
EE = 160000
DD = 256
HH = 256
ZD = 64
FH = 128

NC, NS, LL = 2, 16, 16
CHUNK = 128
NPAD = 10240
EPAD = 163840
RPT = NPAD // NS
ECH = EPAD // CHUNK
DUMMY = NN

_mesh = plsc.VectorSubcoreMesh(
    core_axis_name="c", subcore_axis_name="s", num_cores=NC, num_subcores=NS
)

DCH = ECH // NS


@functools.partial(
    pl.kernel,
    out_type=jax.ShapeDtypeStruct((2, NPAD), jnp.float32),
    mesh=_mesh,
    scratch_types=[
        pltpu.VMEM_SHARED((NPAD,), jnp.float32),
        pltpu.VMEM((DCH, CHUNK), jnp.int32),
        pltpu.VMEM((CHUNK,), jnp.float32),
    ],
)
def _deg_sc(src_hbm, dst_hbm, zeros1_hbm, ones_hbm, out_hbm, hist, idx, ones_v):
    c = lax.axis_index("c")
    s = lax.axis_index("s")
    pltpu.sync_copy(zeros1_hbm.at[pl.ds(s * RPT, RPT)], hist.at[pl.ds(s * RPT, RPT)])
    pltpu.sync_copy(ones_hbm, ones_v)

    def run(idx_hbm):
        pltpu.sync_copy(idx_hbm.at[pl.ds(s * DCH, DCH)], idx)
        plsc.subcore_barrier()

        def body(j, carry):
            pltpu.sync_copy(ones_v, hist.at[idx.at[j]], add=True)
            return carry

        lax.fori_loop(0, DCH, body, 0)

    @pl.when(c == 0)
    def _():
        run(src_hbm)

    @pl.when(c == 1)
    def _():
        run(dst_hbm)

    plsc.subcore_barrier()

    @pl.when(s == 0)
    def _():
        pltpu.sync_copy(hist, out_hbm.at[c])


S1CH = ECH // NS


IBCH = 8


def _seg_loop(tab, agg, srcm, dstm, base, nch, idxs, idxd, rows0, rows1, sem):

    def stage(st, carry):
        pltpu.sync_copy(srcm.at[pl.ds(base + st * IBCH, IBCH)], idxs)
        pltpu.sync_copy(dstm.at[pl.ds(base + st * IBCH, IBCH)], idxd)
        pltpu.async_copy(tab.at[idxs.at[0]], rows0, sem)

        def body(k, c2):
            j0 = 2 * k
            pltpu.async_copy(tab.at[idxs.at[j0 + 1]], rows1, sem)
            pltpu.make_async_copy(tab.at[idxs.at[j0]], rows0, sem).wait()
            pltpu.sync_copy(rows0, agg.at[idxd.at[j0]], add=True)

            @pl.when(k < IBCH // 2 - 1)
            def _():
                pltpu.async_copy(tab.at[idxs.at[j0 + 2]], rows0, sem)

            pltpu.make_async_copy(tab.at[idxs.at[j0 + 1]], rows1, sem).wait()
            pltpu.sync_copy(rows1, agg.at[idxd.at[j0 + 1]], add=True)
            return c2

        lax.fori_loop(0, IBCH // 2, body, 0)
        return carry

    lax.fori_loop(0, nch // IBCH, stage, 0)


@functools.partial(
    pl.kernel,
    out_type=(
        jax.ShapeDtypeStruct((NPAD, FH), jnp.float32),
        jax.ShapeDtypeStruct((NPAD, FH), jnp.float32),
    ),
    mesh=_mesh,
    scratch_types=[
        pltpu.VMEM_SHARED((NPAD, FH), jnp.float32),
        pltpu.VMEM((IBCH, CHUNK), jnp.int32),
        pltpu.VMEM((IBCH, CHUNK), jnp.int32),
        pltpu.VMEM((CHUNK, FH), jnp.float32),
        pltpu.VMEM((CHUNK, FH), jnp.float32),
        pltpu.SemaphoreType.DMA,
    ],
)
def _seg1_sc(hwa, hwb, srcm, dstm, zeros2_hbm, outa, outb, agg, idxs, idxd, rows0, rows1, sem):
    c = lax.axis_index("c")
    s = lax.axis_index("s")
    pltpu.sync_copy(
        zeros2_hbm.at[pl.ds(s * RPT, RPT)], agg.at[pl.ds(s * RPT, RPT)]
    )
    plsc.subcore_barrier()

    def run(tab):
        _seg_loop(tab, agg, srcm, dstm, s * S1CH, S1CH, idxs, idxd, rows0, rows1, sem)

    @pl.when(c == 0)
    def _():
        run(hwa)

    @pl.when(c == 1)
    def _():
        run(hwb)

    plsc.subcore_barrier()

    def wout(o):
        pltpu.sync_copy(agg.at[pl.ds(s * RPT, RPT)], o.at[pl.ds(s * RPT, RPT)])

    @pl.when(c == 0)
    def _():
        wout(outa)

    @pl.when(c == 1)
    def _():
        wout(outb)


S2CH = ECH // (NC * NS)


@functools.partial(
    pl.kernel,
    out_type=(
        jax.ShapeDtypeStruct((NPAD, 2 * ZD), jnp.float32),
        jax.ShapeDtypeStruct((NPAD, 2 * ZD), jnp.float32),
    ),
    mesh=_mesh,
    scratch_types=[
        pltpu.VMEM_SHARED((NPAD, FH), jnp.float32),
        pltpu.VMEM((IBCH, CHUNK), jnp.int32),
        pltpu.VMEM((IBCH, CHUNK), jnp.int32),
        pltpu.VMEM((CHUNK, FH), jnp.float32),
        pltpu.VMEM((CHUNK, FH), jnp.float32),
        pltpu.SemaphoreType.DMA,
    ],
)
def _seg2_sc(tab, srcm, dstm, zeros2_hbm, out0, out1, agg, idxs, idxd, rows0, rows1, sem):
    c = lax.axis_index("c")
    s = lax.axis_index("s")
    pltpu.sync_copy(
        zeros2_hbm.at[pl.ds(s * RPT, RPT)], agg.at[pl.ds(s * RPT, RPT)]
    )
    plsc.subcore_barrier()
    base = (c * NS + s) * S2CH
    _seg_loop(tab, agg, srcm, dstm, base, S2CH, idxs, idxd, rows0, rows1, sem)
    plsc.subcore_barrier()

    def wout(o):
        pltpu.sync_copy(agg.at[pl.ds(s * RPT, RPT)], o.at[pl.ds(s * RPT, RPT)])

    @pl.when(c == 0)
    def _():
        wout(out0)

    @pl.when(c == 1)
    def _():
        wout(out1)


RB1 = 1024


def _mm1_body(x_ref, w_ref, deg_ref, outa_ref, outb_ref):
    ns = lax.rsqrt(jnp.maximum(deg_ref[...], 1.0))
    y = jnp.dot(x_ref[...], w_ref[...], preferred_element_type=jnp.float32)
    y = y * ns[:, None]
    outa_ref[...] = y[:, :FH]
    outb_ref[...] = y[:, FH:]


_mm1 = pl.pallas_call(
    _mm1_body,
    grid=(NPAD // RB1,),
    in_specs=[
        pl.BlockSpec((RB1, DD), lambda i: (i, 0)),
        pl.BlockSpec((DD, HH), lambda i: (0, 0)),
        pl.BlockSpec((RB1,), lambda i: (i,)),
    ],
    out_specs=[
        pl.BlockSpec((RB1, FH), lambda i: (i, 0)),
        pl.BlockSpec((RB1, FH), lambda i: (i, 0)),
    ],
    out_shape=[
        jax.ShapeDtypeStruct((NPAD, FH), jnp.float32),
        jax.ShapeDtypeStruct((NPAD, FH), jnp.float32),
    ],
)


def _mm2_body(a_ref, b_ref, degd_ref, degs_ref, w_ref, out_ref):
    nd = lax.rsqrt(jnp.maximum(degd_ref[...], 1.0))
    ns = lax.rsqrt(jnp.maximum(degs_ref[...], 1.0))
    h = jnp.concatenate([a_ref[...], b_ref[...]], axis=1) * nd[:, None]
    h = jnp.maximum(h, 0.0)
    y = jnp.dot(h, w_ref[...], preferred_element_type=jnp.float32)
    out_ref[...] = y * ns[:, None]


_mm2 = pl.pallas_call(
    _mm2_body,
    grid=(NPAD // RB1,),
    in_specs=[
        pl.BlockSpec((RB1, FH), lambda i: (i, 0)),
        pl.BlockSpec((RB1, FH), lambda i: (i, 0)),
        pl.BlockSpec((RB1,), lambda i: (i,)),
        pl.BlockSpec((RB1,), lambda i: (i,)),
        pl.BlockSpec((HH, 2 * ZD), lambda i: (0, 0)),
    ],
    out_specs=pl.BlockSpec((RB1, 2 * ZD), lambda i: (i, 0)),
    out_shape=jax.ShapeDtypeStruct((NPAD, 2 * ZD), jnp.float32),
)


BR = 512
BC = 1024
GI = -(-NN // BR)
GJ = -(-NN // BC)


def _dec_body(p0i, p1i, di, ei, p0j, p1j, dj, ej, out_ref):
    def mkz(p0, p1, dg, ep):
        nd = lax.rsqrt(jnp.maximum(dg[...], 1.0))[:, None]
        sm = p0[...] + p1[...]
        mu = sm[:, :ZD] * nd
        log_var = sm[:, ZD:] * nd
        return mu + jnp.exp(0.5 * log_var) * ep[...]

    zi = mkz(p0i, p1i, di, ei)
    zj = mkz(p0j, p1j, dj, ej)
    prod = lax.dot_general(
        zi, zj, (((1,), (1,)), ((), ())), preferred_element_type=jnp.float32
    )
    out_ref[...] = jax.nn.sigmoid(prod)


_dec = pl.pallas_call(
    _dec_body,
    grid=(GI, GJ),
    in_specs=[
        pl.BlockSpec((BR, 2 * ZD), lambda i, j: (i, 0)),
        pl.BlockSpec((BR, 2 * ZD), lambda i, j: (i, 0)),
        pl.BlockSpec((BR,), lambda i, j: (i,)),
        pl.BlockSpec((BR, ZD), lambda i, j: (i, 0)),
        pl.BlockSpec((BC, 2 * ZD), lambda i, j: (j, 0)),
        pl.BlockSpec((BC, 2 * ZD), lambda i, j: (j, 0)),
        pl.BlockSpec((BC,), lambda i, j: (j,)),
        pl.BlockSpec((BC, ZD), lambda i, j: (j, 0)),
    ],
    out_specs=pl.BlockSpec((BR, BC), lambda i, j: (i, j)),
    out_shape=jax.ShapeDtypeStruct((NN, NN), jnp.float32),
)


def kernel(x, edge_index, W1, W_mu, W_logvar, eps):
    src = edge_index[0]
    dst = edge_index[1]
    pad = jnp.full((EPAD - EE,), DUMMY, jnp.int32)
    srcm = jnp.concatenate([src, pad]).reshape(ECH, CHUNK)
    dstm = jnp.concatenate([dst, pad]).reshape(ECH, CHUNK)
    x_pad = jnp.pad(x, ((0, NPAD - NN), (0, 0)))
    eps_pad = jnp.pad(eps, ((0, NPAD - NN), (0, 0)))
    zeros1 = jnp.zeros((NPAD,), jnp.float32)
    zeros2 = jnp.zeros((NPAD, FH), jnp.float32)
    ones1 = jnp.ones((CHUNK,), jnp.float32)
    w_cat = jnp.concatenate([W_mu, W_logvar], axis=1)

    deg = _deg_sc(srcm, dstm, zeros1, ones1)
    deg_src = deg[0]
    deg_dst = deg[1]
    hwa, hwb = _mm1(x_pad, W1, deg_src)
    agga, aggb = _seg1_sc(hwa, hwb, srcm, dstm, zeros2)
    mm2o = _mm2(agga, aggb, deg_dst, deg_src, w_cat)
    p0, p1 = _seg2_sc(mm2o, srcm, dstm, zeros2)
    return _dec(p0, p1, deg_dst, eps_pad, p0, p1, deg_dst, eps_pad)

# --- scband reference (transcript-rebuilt; emitter-appended) ---
"""Pipeline reference for scband-variational-graph-autoencoder-41025527611538 (READ-ONLY COPY).

The authoritative reference and input builder live on the scoring server;
editing this copy changes nothing except your own understanding.
"""

import jax, jax.numpy as jnp
import numpy as np

N = 10000
E = 160000
D = 256
H = 256
Z = 64


def _xavier(key, fan_in, fan_out):
    std = (2.0 / (fan_in + fan_out)) ** 0.5
    return jax.random.normal(key, (fan_in, fan_out), dtype=jnp.float32) * std


def setup_inputs(seed: int = 0) -> dict:
    key = jax.random.key(seed)
    k1, k2, k3, k4, k5, k6 = jax.random.split(key, 6)
    x = jax.random.normal(k1, (N, D), dtype=jnp.float32)
    edge_index = jax.random.randint(k2, (2, E), 0, N, dtype=jnp.int32)
    W1 = _xavier(k3, D, H)
    W_mu = _xavier(k4, H, Z)
    W_logvar = _xavier(k5, H, Z)
    eps = jax.random.normal(k6, (N, Z), dtype=jnp.float32)
    return {"x": x, "edge_index": edge_index, "W1": W1, "W_mu": W_mu, "W_logvar": W_logvar, "eps": eps}


def _gcn(h, W, src, dst, norm_src, norm_dst):
    # DGL GraphConv, norm='both', bias=False:
    # out = D_in^{-1/2} A D_out^{-1/2} (h W)
    hW = h @ W
    msg = hW[src] * norm_src[src][:, None]
    agg = jax.ops.segment_sum(msg, dst, num_segments=N)
    return agg * norm_dst[:, None]


def reference(x, edge_index, W1, W_mu, W_logvar, eps):
    src = edge_index[0]
    dst = edge_index[1]
    deg_out = jnp.clip(jnp.bincount(src, length=N).astype(jnp.float32), 1.0, None)
    deg_in = jnp.clip(jnp.bincount(dst, length=N).astype(jnp.float32), 1.0, None)
    norm_src = deg_out ** -0.5
    norm_dst = deg_in ** -0.5
    # Encoder: one GCN hidden layer with ReLU (dropout is identity in eval mode)
    h = jax.nn.relu(_gcn(x, W1, src, dst, norm_src, norm_dst))
    # GaussianSample: two GCN heads for mu / log_var, then reparameterize
    mu = _gcn(h, W_mu, src, dst, norm_src, norm_dst)
    log_var = _gcn(h, W_logvar, src, dst, norm_src, norm_dst)
    z = mu + jnp.exp(0.5 * log_var) * eps
    # Decoder: inner product with sigmoid -> adjacency matrix
    A = jax.nn.sigmoid(z @ z.T)
    return A

if __name__ == "__main__":
    import jax
    _d = setup_inputs()
    print(jax.jit(kernel)(*tuple(_d.values())))

</pallas_src>

<mosaic_0001>
#map = affine_map<(d0, d1) -> (0, 0)>
#map1 = affine_map<(d0, d1) -> (0)>
module attributes {stable_mosaic.version = 14 : i64} {
  func.func @_deg_sc(%arg0: i32, %arg1: i32, %arg2: memref<1280x128xi32, #tpu.memory_space<hbm>>, %arg3: memref<1280x128xi32, #tpu.memory_space<hbm>>, %arg4: memref<10240xf32, #tpu.memory_space<hbm>>, %arg5: memref<128xf32, #tpu.memory_space<hbm>>, %arg6: memref<2x10240xf32, #tpu.memory_space<hbm>>, %arg7: memref<10240xf32, #tpu.memory_space<vmem_shared>>, %arg8: memref<80x128xi32, #tpu.memory_space<vmem>>, %arg9: memref<128xf32, #tpu.memory_space<vmem>>) attributes {dimension_semantics = [#tpu.dimension_semantics<core_parallel>, #tpu.dimension_semantics<subcore_parallel>], iteration_bounds = array<i64: 2, 16>, scalar_prefetch = 0 : i64, scratch_operands = 3 : i64, tpu.core_type = #tpu.core_type<sc_vector_subcore>, window_params = [{transform_indices = #map}, {transform_indices = #map}, {transform_indices = #map1}, {transform_indices = #map1}, {transform_indices = #map}]} {
    %mul3A = arith.constant 640 : i32
    %mul3A_0 = arith.muli %arg1, %mul3A : i32
    %mul3A_1 = arith.constant 640 : i32
    %mul3A_2 = arith.muli %arg1, %mul3A_1 : i32
    "tpu.region"() ({
      %run_scoped3A = tpu.sem_alloc : memref<!tpu.dma_semaphore, #tpu.memory_space<semaphore_mem>>
      %dma_start3A = tpu.memref_slice %arg7[%mul3A_2] : memref<10240xf32, #tpu.memory_space<vmem_shared>> -> memref<640xf32, #tpu.memory_space<vmem_shared>>
      %dma_start3A_15 = tpu.memref_slice %arg4[%mul3A_0] : memref<10240xf32, #tpu.memory_space<hbm>> -> memref<640xf32, #tpu.memory_space<hbm>>
      tpu.enqueue_dma source(%dma_start3A_15 : memref<640xf32, #tpu.memory_space<hbm>>) target(%dma_start3A : memref<640xf32, #tpu.memory_space<vmem_shared>>) target_semaphore(%run_scoped3A : memref<!tpu.dma_semaphore, #tpu.memory_space<semaphore_mem>>)
      %dma_wait3A = tpu.memref_slice %arg7[%mul3A_2] : memref<10240xf32, #tpu.memory_space<vmem_shared>> -> memref<640xf32, #tpu.memory_space<vmem_shared>>
      %dma_wait3A_16 = tpu.memref_slice %arg4[%mul3A_0] : memref<10240xf32, #tpu.memory_space<hbm>> -> memref<640xf32, #tpu.memory_space<hbm>>
      tpu.wait_dma2 semaphore(%run_scoped3A : memref<!tpu.dma_semaphore, #tpu.memory_space<semaphore_mem>>) src(%dma_wait3A_16 : memref<640xf32, #tpu.memory_space<hbm>>) dst(%dma_wait3A : memref<640xf32, #tpu.memory_space<vmem_shared>>)
      tpu.yield
    }) : () -> ()
    "tpu.region"() ({
      %run_scoped3A = tpu.sem_alloc : memref<!tpu.dma_semaphore, #tpu.memory_space<semaphore_mem>>
      tpu.enqueue_dma source(%arg5 : memref<128xf32, #tpu.memory_space<hbm>>) target(%arg9 : memref<128xf32, #tpu.memory_space<vmem>>) target_semaphore(%run_scoped3A : memref<!tpu.dma_semaphore, #tpu.memory_space<semaphore_mem>>)
      tpu.wait_dma2 semaphore(%run_scoped3A : memref<!tpu.dma_semaphore, #tpu.memory_space<semaphore_mem>>) src(%arg5 : memref<128xf32, #tpu.memory_space<hbm>>) dst(%arg9 : memref<128xf32, #tpu.memory_space<vmem>>)
      tpu.yield
    }) : () -> ()
    %eq3A = arith.constant 0 : i32
    %eq3A_3 = arith.cmpi eq, %arg0, %eq3A : i32
    %convert_element_type3A = arith.extui %eq3A_3 : i1 to i32
    %cond3A = arith.constant 0 : i32
    %cond3A_4 = arith.cmpi ne, %convert_element_type3A, %cond3A : i32
    scf.if %cond3A_4 {
      %mul3A_15 = arith.constant 80 : i32
      %mul3A_16 = arith.muli %arg1, %mul3A_15 : i32
      "tpu.region"() ({
        %run_scoped3A = tpu.sem_alloc : memref<!tpu.dma_semaphore, #tpu.memory_space<semaphore_mem>>
        %dma_start3A = arith.constant 0 : i32
        %dma_start3A_23 = tpu.memref_slice %arg2[%mul3A_16, %dma_start3A] : memref<1280x128xi32, #tpu.memory_space<hbm>> -> memref<80x128xi32, #tpu.memory_space<hbm>>
        %dma_start3A_24 = arith.constant 0 : i32
        %dma_start3A_25 = tpu.memref_slice %arg2[%mul3A_16, %dma_start3A_24] : memref<1280x128xi32, #tpu.memory_space<hbm>> -> memref<80x128xi32, #tpu.memory_space<hbm>>
        tpu.enqueue_dma source(%dma_start3A_25 : memref<80x128xi32, #tpu.memory_space<hbm>>) target(%arg8 : memref<80x128xi32, #tpu.memory_space<vmem>>) target_semaphore(%run_scoped3A : memref<!tpu.dma_semaphore, #tpu.memory_space<semaphore_mem>>)
        %dma_wait3A = arith.constant 0 : i32
        %dma_wait3A_26 = tpu.memref_slice %arg2[%mul3A_16, %dma_wait3A] : memref<1280x128xi32, #tpu.memory_space<hbm>> -> memref<80x128xi32, #tpu.memory_space<hbm>>
        %dma_wait3A_27 = arith.constant 0 : i32
        %dma_wait3A_28 = tpu.memref_slice %arg2[%mul3A_16, %dma_wait3A_27] : memref<1280x128xi32, #tpu.memory_space<hbm>> -> memref<80x128xi32, #tpu.memory_space<hbm>>
        tpu.wait_dma2 semaphore(%run_scoped3A : memref<!tpu.dma_semaphore, #tpu.memory_space<semaphore_mem>>) src(%dma_wait3A_28 : memref<80x128xi32, #tpu.memory_space<hbm>>) dst(%arg8 : memref<80x128xi32, #tpu.memory_space<vmem>>)
        tpu.yield
      }) : () -> ()
      %barrier3A_17 = arith.constant 0 : index
      tpu.barrier barrier_id(%barrier3A_17)
      %scan3A = arith.constant 0 : i32
      %scan3A_18 = arith.constant 0 : i32
      %scan3A_19 = arith.constant 80 : i32
      %scan3A_20 = arith.addi %scan3A_18, %scan3A_19 : i32
      %scan3A_21 = arith.constant 1 : i32
      scf.for %scan3A_23 = %scan3A_18 to %scan3A_20 step %scan3A_21  : i32 {
        "tpu.region"() ({
          %run_scoped3A = tpu.sem_alloc : memref<!tpu.dma_semaphore, #tpu.memory_space<semaphore_mem>>
          %dma_start3A = arith.constant 0 : i32
          %dma_start3A_24 = tpu.memref_slice %arg8[%scan3A_23, %dma_start3A] : memref<80x128xi32, #tpu.memory_space<vmem>> -> memref<1x128xi32, #tpu.memory_space<vmem>>
          %dma_start3A_25 = tpu.memref_squeeze %dma_start3A_24 : memref<1x128xi32, #tpu.memory_space<vmem>> -> memref<128xi32, #tpu.memory_space<vmem>>
          %dma_start3A_26 = arith.constant 0 : i32
          %dma_start3A_27 = tpu.memref_slice %arg7[%dma_start3A_26] : memref<10240xf32, #tpu.memory_space<vmem_shared>> -> memref<10240xf32, #tpu.memory_space<vmem_shared>>
          tpu.enqueue_indirect_dma source(%arg9 : memref<128xf32, #tpu.memory_space<vmem>>) target(%dma_start3A_27 : memref<10240xf32, #tpu.memory_space<vmem_shared>>) offsets(%dma_start3A_25 : memref<128xi32, #tpu.memory_space<vmem>>) semaphore(%run_scoped3A : memref<!tpu.dma_semaphore, #tpu.memory_space<semaphore_mem>>) {add = true}
          %dma_wait3A = arith.constant 0 : i32
          %dma_wait3A_28 = tpu.memref_slice %arg8[%scan3A_23, %dma_wait3A] : memref<80x128xi32, #tpu.memory_space<vmem>> -> memref<1x128xi32, #tpu.memory_space<vmem>>
          %dma_wait3A_29 = tpu.memref_squeeze %dma_wait3A_28 : memref<1x128xi32, #tpu.memory_space<vmem>> -> memref<128xi32, #tpu.memory_space<vmem>>
          %dma_wait3A_30 = arith.constant 0 : i32
          %dma_wait3A_31 = tpu.memref_slice %arg7[%dma_wait3A_30] : memref<10240xf32, #tpu.memory_space<vmem_shared>> -> memref<10240xf32, #tpu.memory_space<vmem_shared>>
          tpu.wait_indirect_dma semaphore(%run_scoped3A : memref<!tpu.dma_semaphore, #tpu.memory_space<semaphore_mem>>) src(%arg9 : memref<128xf32, #tpu.memory_space<vmem>>) dst(%dma_wait3A_31 : memref<10240xf32, #tpu.memory_space<vmem_shared>>)
          tpu.yield
        }) : () -> ()
      }
      %scan3A_22 = arith.constant 80 : i32
    } else {
    }
    %eq3A_5 = arith.constant 1 : i32
    %eq3A_6 = arith.cmpi eq, %arg0, %eq3A_5 : i32
    %convert_element_type3A_7 = arith.extui %eq3A_6 : i1 to i32
    %cond3A_8 = arith.constant 0 : i32
    %cond3A_9 = arith.cmpi ne, %convert_element_type3A_7, %cond3A_8 : i32
    scf.if %cond3A_9 {
      %mul3A_15 = arith.constant 80 : i32
      %mul3A_16 = arith.muli %arg1, %mul3A_15 : i32
      "tpu.region"() ({
        %run_scoped3A = tpu.sem_alloc : memref<!tpu.dma_semaphore, #tpu.memory_space<semaphore_mem>>
        %dma_start3A = arith.constant 0 : i32
        %dma_start3A_23 = tpu.memref_slice %arg3[%mul3A_16, %dma_start3A] : memref<1280x128xi32, #tpu.memory_space<hbm>> -> memref<80x128xi32, #tpu.memory_space<hbm>>
        %dma_start3A_24 = arith.constant 0 : i32
        %dma_start3A_25 = tpu.memref_slice %arg3[%mul3A_16, %dma_start3A_24] : memref<1280x128xi32, #tpu.memory_space<hbm>> -> memref<80x128xi32, #tpu.memory_space<hbm>>
        tpu.enqueue_dma source(%dma_start3A_25 : memref<80x128xi32, #tpu.memory_space<hbm>>) target(%arg8 : memref<80x128xi32, #tpu.memory_space<vmem>>) target_semaphore(%run_scoped3A : memref<!tpu.dma_semaphore, #tpu.memory_space<semaphore_mem>>)
        %dma_wait3A = arith.constant 0 : i32
        %dma_wait3A_26 = tpu.memref_slice %arg3[%mul3A_16, %dma_wait3A] : memref<1280x128xi32, #tpu.memory_space<hbm>> -> memref<80x128xi32, #tpu.memory_space<hbm>>
        %dma_wait3A_27 = arith.constant 0 : i32
        %dma_wait3A_28 = tpu.memref_slice %arg3[%mul3A_16, %dma_wait3A_27] : memref<1280x128xi32, #tpu.memory_space<hbm>> -> memref<80x128xi32, #tpu.memory_space<hbm>>
        tpu.wait_dma2 semaphore(%run_scoped3A : memref<!tpu.dma_semaphore, #tpu.memory_space<semaphore_mem>>) src(%dma_wait3A_28 : memref<80x128xi32, #tpu.memory_space<hbm>>) dst(%arg8 : memref<80x128xi32, #tpu.memory_space<vmem>>)
        tpu.yield
      }) : () -> ()
      %barrier3A_17 = arith.constant 0 : index
      tpu.barrier barrier_id(%barrier3A_17)
      %scan3A = arith.constant 0 : i32
      %scan3A_18 = arith.constant 0 : i32
      %scan3A_19 = arith.constant 80 : i32
      %scan3A_20 = arith.addi %scan3A_18, %scan3A_19 : i32
      %scan3A_21 = arith.constant 1 : i32
      scf.for %scan3A_23 = %scan3A_18 to %scan3A_20 step %scan3A_21  : i32 {
        "tpu.region"() ({
          %run_scoped3A = tpu.sem_alloc : memref<!tpu.dma_semaphore, #tpu.memory_space<semaphore_mem>>
          %dma_start3A = arith.constant 0 : i32
          %dma_start3A_24 = tpu.memref_slice %arg8[%scan3A_23, %dma_start3A] : memref<80x128xi32, #tpu.memory_space<vmem>> -> memref<1x128xi32, #tpu.memory_space<vmem>>
          %dma_start3A_25 = tpu.memref_squeeze %dma_start3A_24 : memref<1x128xi32, #tpu.memory_space<vmem>> -> memref<128xi32, #tpu.memory_space<vmem>>
          %dma_start3A_26 = arith.constant 0 : i32
          %dma_start3A_27 = tpu.memref_slice %arg7[%dma_start3A_26] : memref<10240xf32, #tpu.memory_space<vmem_shared>> -> memref<10240xf32, #tpu.memory_space<vmem_shared>>
          tpu.enqueue_indirect_dma source(%arg9 : memref<128xf32, #tpu.memory_space<vmem>>) target(%dma_start3A_27 : memref<10240xf32, #tpu.memory_space<vmem_shared>>) offsets(%dma_start3A_25 : memref<128xi32, #tpu.memory_space<vmem>>) semaphore(%run_scoped3A : memref<!tpu.dma_semaphore, #tpu.memory_space<semaphore_mem>>) {add = true}
          %dma_wait3A = arith.constant 0 : i32
          %dma_wait3A_28 = tpu.memref_slice %arg8[%scan3A_23, %dma_wait3A] : memref<80x128xi32, #tpu.memory_space<vmem>> -> memref<1x128xi32, #tpu.memory_space<vmem>>
          %dma_wait3A_29 = tpu.memref_squeeze %dma_wait3A_28 : memref<1x128xi32, #tpu.memory_space<vmem>> -> memref<128xi32, #tpu.memory_space<vmem>>
          %dma_wait3A_30 = arith.constant 0 : i32
          %dma_wait3A_31 = tpu.memref_slice %arg7[%dma_wait3A_30] : memref<10240xf32, #tpu.memory_space<vmem_shared>> -> memref<10240xf32, #tpu.memory_space<vmem_shared>>
          tpu.wait_indirect_dma semaphore(%run_scoped3A : memref<!tpu.dma_semaphore, #tpu.memory_space<semaphore_mem>>) src(%arg9 : memref<128xf32, #tpu.memory_space<vmem>>) dst(%dma_wait3A_31 : memref<10240xf32, #tpu.memory_space<vmem_shared>>)
          tpu.yield
        }) : () -> ()
      }
      %scan3A_22 = arith.constant 80 : i32
    } else {
    }
    %barrier3A = arith.constant 0 : index
    tpu.barrier barrier_id(%barrier3A)
    %eq3A_10 = arith.constant 0 : i32
    %eq3A_11 = arith.cmpi eq, %arg1, %eq3A_10 : i32
    %convert_element_type3A_12 = arith.extui %eq3A_11 : i1 to i32
    %cond3A_13 = arith.constant 0 : i32
    %cond3A_14 = arith.cmpi ne, %convert_element_type3A_12, %cond3A_13 : i32
    scf.if %cond3A_14 {
      "tpu.region"() ({
        %run_scoped3A = tpu.sem_alloc : memref<!tpu.dma_semaphore, #tpu.memory_space<semaphore_mem>>
        %dma_start3A = arith.constant 0 : i32
        %dma_start3A_15 = tpu.memref_slice %arg6[%arg0, %dma_start3A] : memref<2x10240xf32, #tpu.memory_space<hbm>> -> memref<1x10240xf32, #tpu.memory_space<hbm>>
        %dma_start3A_16 = tpu.memref_squeeze %dma_start3A_15 : memref<1x10240xf32, #tpu.memory_space<hbm>> -> memref<10240xf32, #tpu.memory_space<hbm>>
        tpu.enqueue_dma source(%arg7 : memref<10240xf32, #tpu.memory_space<vmem_shared>>) target(%dma_start3A_16 : memref<10240xf32, #tpu.memory_space<hbm>>) target_semaphore(%run_scoped3A : memref<!tpu.dma_semaphore, #tpu.memory_space<semaphore_mem>>)
        %dma_wait3A = arith.constant 0 : i32
        %dma_wait3A_17 = tpu.memref_slice %arg6[%arg0, %dma_wait3A] : memref<2x10240xf32, #tpu.memory_space<hbm>> -> memref<1x10240xf32, #tpu.memory_space<hbm>>
        %dma_wait3A_18 = tpu.memref_squeeze %dma_wait3A_17 : memref<1x10240xf32, #tpu.memory_space<hbm>> -> memref<10240xf32, #tpu.memory_space<hbm>>
        tpu.wait_dma2 semaphore(%run_scoped3A : memref<!tpu.dma_semaphore, #tpu.memory_space<semaphore_mem>>) src(%arg7 : memref<10240xf32, #tpu.memory_space<vmem_shared>>) dst(%dma_wait3A_18 : memref<10240xf32, #tpu.memory_space<hbm>>)
        tpu.yield
      }) : () -> ()
    } else {
    }
    return
  }
}

#map = affine_map<(d0, d1) -> (0, 0)>
module attributes {stable_mosaic.version = 14 : i64} {
  func.func @_seg2_sc(%arg0: i32, %arg1: i32, %arg2: memref<10240x128xf32, #tpu.memory_space<hbm>>, %arg3: memref<1280x128xi32, #tpu.memory_space<hbm>>, %arg4: memref<1280x128xi32, #tpu.memory_space<hbm>>, %arg5: memref<10240x128xf32, #tpu.memory_space<hbm>>, %arg6: memref<10240x128xf32, #tpu.memory_space<hbm>>, %arg7: memref<10240x128xf32, #tpu.memory_space<hbm>>, %arg8: memref<10240x128xf32, #tpu.memory_space<vmem_shared>>, %arg9: memref<8x128xi32, #tpu.memory_space<vmem>>, %arg10: memref<8x128xi32, #tpu.memory_space<vmem>>, %arg11: memref<128x128xf32, #tpu.memory_space<vmem>>, %arg12: memref<128x128xf32, #tpu.memory_space<vmem>>, %arg13: memref<!tpu.dma_semaphore, #tpu.memory_space<semaphore_mem>>) attributes {dimension_semantics = [#tpu.dimension_semantics<core_parallel>, #tpu.dimension_semantics<subcore_parallel>], iteration_bounds = array<i64: 2, 16>, scalar_prefetch = 0 : i64, scratch_operands = 6 : i64, tpu.core_type = #tpu.core_type<sc_vector_subcore>, window_params = [{transform_indices = #map}, {transform_indices = #map}, {transform_indices = #map}, {transform_indices = #map}, {transform_indices = #map}, {transform_indices = #map}]} {
    %mul3A = arith.constant 640 : i32
    %mul3A_0 = arith.muli %arg1, %mul3A : i32
    %mul3A_1 = arith.constant 640 : i32
    %mul3A_2 = arith.muli %arg1, %mul3A_1 : i32
    "tpu.region"() ({
      %run_scoped3A = tpu.sem_alloc : memref<!tpu.dma_semaphore, #tpu.memory_space<semaphore_mem>>
      %dma_start3A = arith.constant 0 : i32
      %dma_start3A_20 = tpu.memref_slice %arg8[%mul3A_2, %dma_start3A] : memref<10240x128xf32, #tpu.memory_space<vmem_shared>> -> memref<640x128xf32, #tpu.memory_space<vmem_shared>>
      %dma_start3A_21 = arith.constant 0 : i32
      %dma_start3A_22 = tpu.memref_slice %arg5[%mul3A_0, %dma_start3A_21] : memref<10240x128xf32, #tpu.memory_space<hbm>> -> memref<640x128xf32, #tpu.memory_space<hbm>>
      tpu.enqueue_dma source(%dma_start3A_22 : memref<640x128xf32, #tpu.memory_space<hbm>>) target(%dma_start3A_20 : memref<640x128xf32, #tpu.memory_space<vmem_shared>>) target_semaphore(%run_scoped3A : memref<!tpu.dma_semaphore, #tpu.memory_space<semaphore_mem>>)
      %dma_wait3A = arith.constant 0 : i32
      %dma_wait3A_23 = tpu.memref_slice %arg8[%mul3A_2, %dma_wait3A] : memref<10240x128xf32, #tpu.memory_space<vmem_shared>> -> memref<640x128xf32, #tpu.memory_space<vmem_shared>>
      %dma_wait3A_24 = arith.constant 0 : i32
      %dma_wait3A_25 = tpu.memref_slice %arg5[%mul3A_0, %dma_wait3A_24] : memref<10240x128xf32, #tpu.memory_space<hbm>> -> memref<640x128xf32, #tpu.memory_space<hbm>>
      tpu.wait_dma2 semaphore(%run_scoped3A : memref<!tpu.dma_semaphore, #tpu.memory_space<semaphore_mem>>) src(%dma_wait3A_25 : memref<640x128xf32, #tpu.memory_space<hbm>>) dst(%dma_wait3A_23 : memref<640x128xf32, #tpu.memory_space<vmem_shared>>)
      tpu.yield
    }) : () -> ()
    %barrier3A = arith.constant 0 : index
    tpu.barrier barrier_id(%barrier3A)
    %mul3A_3 = arith.constant 16 : i32
    %mul3A_4 = arith.muli %arg0, %mul3A_3 : i32
    %add3A = arith.addi %mul3A_4, %arg1 : i32
    %mul3A_5 = arith.constant 40 : i32
    %mul3A_6 = arith.muli %add3A, %mul3A_5 : i32
    %scan3A = arith.constant 0 : i32
    %scan3A_7 = arith.constant 0 : i32
    %scan3A_8 = arith.constant 5 : i32
    %scan3A_9 = arith.addi %scan3A_7, %scan3A_8 : i32
    %scan3A_10 = arith.constant 1 : i32
    scf.for %scan3A_20 = %scan3A_7 to %scan3A_9 step %scan3A_10  : i32 {
      %mul3A_21 = arith.constant 8 : i32
      %mul3A_22 = arith.muli %scan3A_20, %mul3A_21 : i32
      %add3A_23 = arith.addi %mul3A_6, %mul3A_22 : i32
      "tpu.region"() ({
        %run_scoped3A = tpu.sem_alloc : memref<!tpu.dma_semaphore, #tpu.memory_space<semaphore_mem>>
        %dma_start3A_39 = arith.constant 0 : i32
        %dma_start3A_40 = tpu.memref_slice %arg3[%add3A_23, %dma_start3A_39] : memref<1280x128xi32, #tpu.memory_space<hbm>> -> memref<8x128xi32, #tpu.memory_space<hbm>>
        %dma_start3A_41 = arith.constant 0 : i32
        %dma_start3A_42 = tpu.memref_slice %arg3[%add3A_23, %dma_start3A_41] : memref<1280x128xi32, #tpu.memory_space<hbm>> -> memref<8x128xi32, #tpu.memory_space<hbm>>
        tpu.enqueue_dma source(%dma_start3A_42 : memref<8x128xi32, #tpu.memory_space<hbm>>) target(%arg9 : memref<8x128xi32, #tpu.memory_space<vmem>>) target_semaphore(%run_scoped3A : memref<!tpu.dma_semaphore, #tpu.memory_space<semaphore_mem>>)
        %dma_wait3A = arith.constant 0 : i32
        %dma_wait3A_43 = tpu.memref_slice %arg3[%add3A_23, %dma_wait3A] : memref<1280x128xi32, #tpu.memory_space<hbm>> -> memref<8x128xi32, #tpu.memory_space<hbm>>
        %dma_wait3A_44 = arith.constant 0 : i32
        %dma_wait3A_45 = tpu.memref_slice %arg3[%add3A_23, %dma_wait3A_44] : memref<1280x128xi32, #tpu.memory_space<hbm>> -> memref<8x128xi32, #tpu.memory_space<hbm>>
        tpu.wait_dma2 semaphore(%run_scoped3A : memref<!tpu.dma_semaphore, #tpu.memory_space<semaphore_mem>>) src(%dma_wait3A_45 : memref<8x128xi32, #tpu.memory_space<hbm>>) dst(%arg9 : memref<8x128xi32, #tpu.memory_space<vmem>>)
        tpu.yield
      }) : () -> ()
      %mul3A_24 = arith.constant 8 : i32
      %mul3A_25 = arith.muli %scan3A_20, %mul3A_24 : i32
      %add3A_26 = arith.addi %mul3A_6, %mul3A_25 : i32
      "tpu.region"() ({
        %run_scoped3A = tpu.sem_alloc : memref<!tpu.dma_semaphore, #tpu.memory_space<semaphore_mem>>
        %dma_start3A_39 = arith.constant 0 : i32
        %dma_start3A_40 = tpu.memref_slice %arg4[%add3A_26, %dma_start3A_39] : memref<1280x128xi32, #tpu.memory_space<hbm>> -> memref<8x128xi32, #tpu.memory_space<hbm>>
        %dma_start3A_41 = arith.constant 0 : i32
        %dma_start3A_42 = tpu.memref_slice %arg4[%add3A_26, %dma_start3A_41] : memref<1280x128xi32, #tpu.memory_space<hbm>> -> memref<8x128xi32, #tpu.memory_space<hbm>>
        tpu.enqueue_dma source(%dma_start3A_42 : memref<8x128xi32, #tpu.memory_space<hbm>>) target(%arg10 : memref<8x128xi32, #tpu.memory_space<vmem>>) target_semaphore(%run_scoped3A : memref<!tpu.dma_semaphore, #tpu.memory_space<semaphore_mem>>)
        %dma_wait3A = arith.constant 0 : i32
        %dma_wait3A_43 = tpu.memref_slice %arg4[%add3A_26, %dma_wait3A] : memref<1280x128xi32, #tpu.memory_space<hbm>> -> memref<8x128xi32, #tpu.memory_space<hbm>>
        %dma_wait3A_44 = arith.constant 0 : i32
        %dma_wait3A_45 = tpu.memref_slice %arg4[%add3A_26, %dma_wait3A_44] : memref<1280x128xi32, #tpu.memory_space<hbm>> -> memref<8x128xi32, #tpu.memory_space<hbm>>
        tpu.wait_dma2 semaphore(%run_scoped3A : memref<!tpu.dma_semaphore, #tpu.memory_space<semaphore_mem>>) src(%dma_wait3A_45 : memref<8x128xi32, #tpu.memory_space<hbm>>) dst(%arg10 : memref<8x128xi32, #tpu.memory_space<vmem>>)
        tpu.yield
      }) : () -> ()
      %dma_start3A = arith.constant 0 : i32
      %dma_start3A_27 = arith.constant 0 : i32
      %dma_start3A_28 = tpu.memref_slice %arg9[%dma_start3A, %dma_start3A_27] : memref<8x128xi32, #tpu.memory_space<vmem>> -> memref<1x128xi32, #tpu.memory_space<vmem>>
      %dma_start3A_29 = tpu.memref_squeeze %dma_start3A_28 : memref<1x128xi32, #tpu.memory_space<vmem>> -> memref<128xi32, #tpu.memory_space<vmem>>
      %dma_start3A_30 = arith.constant 0 : i32
      %dma_start3A_31 = arith.constant 0 : i32
      %dma_start3A_32 = tpu.memref_slice %arg2[%dma_start3A_30, %dma_start3A_31] : memref<10240x128xf32, #tpu.memory_space<hbm>> -> memref<10240x128xf32, #tpu.memory_space<hbm>>
      tpu.enqueue_indirect_dma source(%dma_start3A_32 : memref<10240x128xf32, #tpu.memory_space<hbm>>) target(%arg11 : memref<128x128xf32, #tpu.memory_space<vmem>>) offsets(%dma_start3A_29 : memref<128xi32, #tpu.memory_space<vmem>>) semaphore(%arg13 : memref<!tpu.dma_semaphore, #tpu.memory_space<semaphore_mem>>)
      %scan3A_33 = arith.constant 0 : i32
      %scan3A_34 = arith.constant 0 : i32
      %scan3A_35 = arith.constant 4 : i32
      %scan3A_36 = arith.addi %scan3A_34, %scan3A_35 : i32
      %scan3A_37 = arith.constant 1 : i32
      scf.for %scan3A_39 = %scan3A_34 to %scan3A_36 step %scan3A_37  : i32 {
        %mul3A_40 = arith.constant 2 : i32
        %mul3A_41 = arith.muli %mul3A_40, %scan3A_39 : i32
        %add3A_42 = arith.constant 1 : i32
        %add3A_43 = arith.addi %mul3A_41, %add3A_42 : i32
        %dma_start3A_44 = arith.constant 0 : i32
        %dma_start3A_45 = tpu.memref_slice %arg9[%add3A_43, %dma_start3A_44] : memref<8x128xi32, #tpu.memory_space<vmem>> -> memref<1x128xi32, #tpu.memory_space<vmem>>
        %dma_start3A_46 = tpu.memref_squeeze %dma_start3A_45 : memref<1x128xi32, #tpu.memory_space<vmem>> -> memref<128xi32, #tpu.memory_space<vmem>>
        %dma_start3A_47 = arith.constant 0 : i32
        %dma_start3A_48 = arith.constant 0 : i32
        %dma_start3A_49 = tpu.memref_slice %arg2[%dma_start3A_47, %dma_start3A_48] : memref<10240x128xf32, #tpu.memory_space<hbm>> -> memref<10240x128xf32, #tpu.memory_space<hbm>>
        tpu.enqueue_indirect_dma source(%dma_start3A_49 : memref<10240x128xf32, #tpu.memory_space<hbm>>) target(%arg12 : memref<128x128xf32, #tpu.memory_space<vmem>>) offsets(%dma_start3A_46 : memref<128xi32, #tpu.memory_space<vmem>>) semaphore(%arg13 : memref<!tpu.dma_semaphore, #tpu.memory_space<semaphore_mem>>)
        %dma_wait3A = arith.constant 0 : i32
        %dma_wait3A_50 = tpu.memref_slice %arg9[%mul3A_41, %dma_wait3A] : memref<8x128xi32, #tpu.memory_space<vmem>> -> memref<1x128xi32, #tpu.memory_space<vmem>>
        %dma_wait3A_51 = tpu.memref_squeeze %dma_wait3A_50 : memref<1x128xi32, #tpu.memory_space<vmem>> -> memref<128xi32, #tpu.memory_space<vmem>>
        %dma_wait3A_52 = arith.constant 0 : i32
        %dma_wait3A_53 = arith.constant 0 : i32
        %dma_wait3A_54 = tpu.memref_slice %arg2[%dma_wait3A_52, %dma_wait3A_53] : memref<10240x128xf32, #tpu.memory_space<hbm>> -> memref<10240x128xf32, #tpu.memory_space<hbm>>
        tpu.wait_indirect_dma semaphore(%arg13 : memref<!tpu.dma_semaphore, #tpu.memory_space<semaphore_mem>>) src(%dma_wait3A_54 : memref<10240x128xf32, #tpu.memory_space<hbm>>) dst(%arg11 : memref<128x128xf32, #tpu.memory_space<vmem>>)
        "tpu.region"() ({
          %run_scoped3A = tpu.sem_alloc : memref<!tpu.dma_semaphore, #tpu.memory_space<semaphore_mem>>
          %dma_start3A_69 = arith.constant 0 : i32
          %dma_start3A_70 = tpu.memref_slice %arg10[%mul3A_41, %dma_start3A_69] : memref<8x128xi32, #tpu.memory_space<vmem>> -> memref<1x128xi32, #tpu.memory_space<vmem>>
          %dma_start3A_71 = tpu.memref_squeeze %dma_start3A_70 : memref<1x128xi32, #tpu.memory_space<vmem>> -> memref<128xi32, #tpu.memory_space<vmem>>
          %dma_start3A_72 = arith.constant 0 : i32
          %dma_start3A_73 = arith.constant 0 : i32
          %dma_start3A_74 = tpu.memref_slice %arg8[%dma_start3A_72, %dma_start3A_73] : memref<10240x128xf32, #tpu.memory_space<vmem_shared>> -> memref<10240x128xf32, #tpu.memory_space<vmem_shared>>
          tpu.enqueue_indirect_dma source(%arg11 : memref<128x128xf32, #tpu.memory_space<vmem>>) target(%dma_start3A_74 : memref<10240x128xf32, #tpu.memory_space<vmem_shared>>) offsets(%dma_start3A_71 : memref<128xi32, #tpu.memory_space<vmem>>) semaphore(%run_scoped3A : memref<!tpu.dma_semaphore, #tpu.memory_space<semaphore_mem>>) {add = true}
          %dma_wait3A_75 = arith.constant 0 : i32
          %dma_wait3A_76 = tpu.memref_slice %arg10[%mul3A_41, %dma_wait3A_75] : memref<8x128xi32, #tpu.memory_space<vmem>> -> memref<1x128xi32, #tpu.memory_space<vmem>>
          %dma_wait3A_77 = tpu.memref_squeeze %dma_wait3A_76 : memref<1x128xi32, #tpu.memory_space<vmem>> -> memref<128xi32, #tpu.memory_space<vmem>>
          %dma_wait3A_78 = arith.constant 0 : i32
          %dma_wait3A_79 = arith.constant 0 : i32
          %dma_wait3A_80 = tpu.memref_slice %arg8[%dma_wait3A_78, %dma_wait3A_79] : memref<10240x128xf32, #tpu.memory_space<vmem_shared>> -> memref<10240x128xf32, #tpu.memory_space<vmem_shared>>
          tpu.wait_indirect_dma semaphore(%run_scoped3A : memref<!tpu.dma_semaphore, #tpu.memory_space<semaphore_mem>>) src(%arg11 : memref<128x128xf32, #tpu.memory_space<vmem>>) dst(%dma_wait3A_80 : memref<10240x128xf32, #tpu.memory_space<vmem_shared>>)
          tpu.yield
        }) : () -> ()
        %lt3A = arith.constant 3 : i32
        %lt3A_55 = arith.cmpi slt, %scan3A_39, %lt3A : i32
        %convert_element_type3A_56 = arith.extui %lt3A_55 : i1 to i32
        %cond3A_57 = arith.constant 0 : i32
        %cond3A_58 = arith.cmpi ne, %convert_element_type3A_56, %cond3A_57 : i32
        scf.if %cond3A_58 {
          %add3A_69 = arith.constant 2 : i32
          %add3A_70 = arith.addi %mul3A_41, %add3A_69 : i32
          %dma_start3A_71 = arith.constant 0 : i32
          %dma_start3A_72 = tpu.memref_slice %arg9[%add3A_70, %dma_start3A_71] : memref<8x128xi32, #tpu.memory_space<vmem>> -> memref<1x128xi32, #tpu.memory_space<vmem>>
          %dma_start3A_73 = tpu.memref_squeeze %dma_start3A_72 : memref<1x128xi32, #tpu.memory_space<vmem>> -> memref<128xi32, #tpu.memory_space<vmem>>
          %dma_start3A_74 = arith.constant 0 : i32
          %dma_start3A_75 = arith.constant 0 : i32
          %dma_start3A_76 = tpu.memref_slice %arg2[%dma_start3A_74, %dma_start3A_75] : memref<10240x128xf32, #tpu.memory_space<hbm>> -> memref<10240x128xf32, #tpu.memory_space<hbm>>
          tpu.enqueue_indirect_dma source(%dma_start3A_76 : memref<10240x128xf32, #tpu.memory_space<hbm>>) target(%arg11 : memref<128x128xf32, #tpu.memory_space<vmem>>) offsets(%dma_start3A_73 : memref<128xi32, #tpu.memory_space<vmem>>) semaphore(%arg13 : memref<!tpu.dma_semaphore, #tpu.memory_space<semaphore_mem>>)
        } else {
        }
        %add3A_59 = arith.constant 1 : i32
        %add3A_60 = arith.addi %mul3A_41, %add3A_59 : i32
        %dma_wait3A_61 = arith.constant 0 : i32
        %dma_wait3A_62 = tpu.memref_slice %arg9[%add3A_60, %dma_wait3A_61] : memref<8x128xi32, #tpu.memory_space<vmem>> -> memref<1x128xi32, #tpu.memory_space<vmem>>
        %dma_wait3A_63 = tpu.memref_squeeze %dma_wait3A_62 : memref<1x128xi32, #tpu.memory_space<vmem>> -> memref<128xi32, #tpu.memory_space<vmem>>
        %dma_wait3A_64 = arith.constant 0 : i32
        %dma_wait3A_65 = arith.constant 0 : i32
        %dma_wait3A_66 = tpu.memref_slice %arg2[%dma_wait3A_64, %dma_wait3A_65] : memref<10240x128xf32, #tpu.memory_space<hbm>> -> memref<10240x128xf32, #tpu.memory_space<hbm>>
        tpu.wait_indirect_dma semaphore(%arg13 : memref<!tpu.dma_semaphore, #tpu.memory_space<semaphore_mem>>) src(%dma_wait3A_66 : memref<10240x128xf32, #tpu.memory_space<hbm>>) dst(%arg12 : memref<128x128xf32, #tpu.memory_space<vmem>>)
        %add3A_67 = arith.constant 1 : i32
        %add3A_68 = arith.addi %mul3A_41, %add3A_67 : i32
        "tpu.region"() ({
          %run_scoped3A = tpu.sem_alloc : memref<!tpu.dma_semaphore, #tpu.memory_space<semaphore_mem>>
          %dma_start3A_69 = arith.constant 0 : i32
          %dma_start3A_70 = tpu.memref_slice %arg10[%add3A_68, %dma_start3A_69] : memref<8x128xi32, #tpu.memory_space<vmem>> -> memref<1x128xi32, #tpu.memory_space<vmem>>
          %dma_start3A_71 = tpu.memref_squeeze %dma_start3A_70 : memref<1x128xi32, #tpu.memory_space<vmem>> -> memref<128xi32, #tpu.memory_space<vmem>>
          %dma_start3A_72 = arith.constant 0 : i32
          %dma_start3A_73 = arith.constant 0 : i32
          %dma_start3A_74 = tpu.memref_slice %arg8[%dma_start3A_72, %dma_start3A_73] : memref<10240x128xf32, #tpu.memory_space<vmem_shared>> -> memref<10240x128xf32, #tpu.memory_space<vmem_shared>>
          tpu.enqueue_indirect_dma source(%arg12 : memref<128x128xf32, #tpu.memory_space<vmem>>) target(%dma_start3A_74 : memref<10240x128xf32, #tpu.memory_space<vmem_shared>>) offsets(%dma_start3A_71 : memref<128xi32, #tpu.memory_space<vmem>>) semaphore(%run_scoped3A : memref<!tpu.dma_semaphore, #tpu.memory_space<semaphore_mem>>) {add = true}
          %dma_wait3A_75 = arith.constant 0 : i32
          %dma_wait3A_76 = tpu.memref_slice %arg10[%add3A_68, %dma_wait3A_75] : memref<8x128xi32, #tpu.memory_space<vmem>> -> memref<1x128xi32, #tpu.memory_space<vmem>>
          %dma_wait3A_77 = tpu.memref_squeeze %dma_wait3A_76 : memref<1x128xi32, #tpu.memory_space<vmem>> -> memref<128xi32, #tpu.memory_space<vmem>>
          %dma_wait3A_78 = arith.constant 0 : i32
          %dma_wait3A_79 = arith.constant 0 : i32
          %dma_wait3A_80 = tpu.memref_slice %arg8[%dma_wait3A_78, %dma_wait3A_79] : memref<10240x128xf32, #tpu.memory_space<vmem_shared>> -> memref<10240x128xf32, #tpu.memory_space<vmem_shared>>
          tpu.wait_indirect_dma semaphore(%run_scoped3A : memref<!tpu.dma_semaphore, #tpu.memory_space<semaphore_mem>>) src(%arg12 : memref<128x128xf32, #tpu.memory_space<vmem>>) dst(%dma_wait3A_80 : memref<10240x128xf32, #tpu.memory_space<vmem_shared>>)
          tpu.yield
        }) : () -> ()
      }
      %scan3A_38 = arith.constant 4 : i32
    }
    %scan3A_11 = arith.constant 5 : i32
    %barrier3A_12 = arith.constant 0 : index
    tpu.barrier barrier_id(%barrier3A_12)
    %eq3A = arith.constant 0 : i32
    %eq3A_13 = arith.cmpi eq, %arg0, %eq3A : i32
    %convert_element_type3A = arith.extui %eq3A_13 : i1 to i32
    %cond3A = arith.constant 0 : i32
    %cond3A_14 = arith.cmpi ne, %convert_element_type3A, %cond3A : i32
    scf.if %cond3A_14 {
      %mul3A_20 = arith.constant 640 : i32
      %mul3A_21 = arith.muli %arg1, %mul3A_20 : i32
      %mul3A_22 = arith.constant 640 : i32
      %mul3A_23 = arith.muli %arg1, %mul3A_22 : i32
      "tpu.region"() ({
        %run_scoped3A = tpu.sem_alloc : memref<!tpu.dma_semaphore, #tpu.memory_space<semaphore_mem>>
        %dma_start3A = arith.constant 0 : i32
        %dma_start3A_24 = tpu.memref_slice %arg6[%mul3A_23, %dma_start3A] : memref<10240x128xf32, #tpu.memory_space<hbm>> -> memref<640x128xf32, #tpu.memory_space<hbm>>
        %dma_start3A_25 = arith.constant 0 : i32
        %dma_start3A_26 = tpu.memref_slice %arg8[%mul3A_21, %dma_start3A_25] : memref<10240x128xf32, #tpu.memory_space<vmem_shared>> -> memref<640x128xf32, #tpu.memory_space<vmem_shared>>
        tpu.enqueue_dma source(%dma_start3A_26 : memref<640x128xf32, #tpu.memory_space<vmem_shared>>) target(%dma_start3A_24 : memref<640x128xf32, #tpu.memory_space<hbm>>) target_semaphore(%run_scoped3A : memref<!tpu.dma_semaphore, #tpu.memory_space<semaphore_mem>>)
        %dma_wait3A = arith.constant 0 : i32
        %dma_wait3A_27 = tpu.memref_slice %arg6[%mul3A_23, %dma_wait3A] : memref<10240x128xf32, #tpu.memory_space<hbm>> -> memref<640x128xf32, #tpu.memory_space<hbm>>
        %dma_wait3A_28 = arith.constant 0 : i32
        %dma_wait3A_29 = tpu.memref_slice %arg8[%mul3A_21, %dma_wait3A_28] : memref<10240x128xf32, #tpu.memory_space<vmem_shared>> -> memref<640x128xf32, #tpu.memory_space<vmem_shared>>
        tpu.wait_dma2 semaphore(%run_scoped3A : memref<!tpu.dma_semaphore, #tpu.memory_space<semaphore_mem>>) src(%dma_wait3A_29 : memref<640x128xf32, #tpu.memory_space<vmem_shared>>) dst(%dma_wait3A_27 : memref<640x128xf32, #tpu.memory_space<hbm>>)
        tpu.yield
      }) : () -> ()
    } else {
    }
    %eq3A_15 = arith.constant 1 : i32
    %eq3A_16 = arith.cmpi eq, %arg0, %eq3A_15 : i32
    %convert_element_type3A_17 = arith.extui %eq3A_16 : i1 to i32
    %cond3A_18 = arith.constant 0 : i32
    %cond3A_19 = arith.cmpi ne, %convert_element_type3A_17, %cond3A_18 : i32
    scf.if %cond3A_19 {
      %mul3A_20 = arith.constant 640 : i32
      %mul3A_21 = arith.muli %arg1, %mul3A_20 : i32
      %mul3A_22 = arith.constant 640 : i32
      %mul3A_23 = arith.muli %arg1, %mul3A_22 : i32
      "tpu.region"() ({
        %run_scoped3A = tpu.sem_alloc : memref<!tpu.dma_semaphore, #tpu.memory_space<semaphore_mem>>
        %dma_start3A = arith.constant 0 : i32
        %dma_start3A_24 = tpu.memref_slice %arg7[%mul3A_23, %dma_start3A] : memref<10240x128xf32, #tpu.memory_space<hbm>> -> memref<640x128xf32, #tpu.memory_space<hbm>>
        %dma_start3A_25 = arith.constant 0 : i32
        %dma_start3A_26 = tpu.memref_slice %arg8[%mul3A_21, %dma_start3A_25] : memref<10240x128xf32, #tpu.memory_space<vmem_shared>> -> memref<640x128xf32, #tpu.memory_space<vmem_shared>>
        tpu.enqueue_dma source(%dma_start3A_26 : memref<640x128xf32, #tpu.memory_space<vmem_shared>>) target(%dma_start3A_24 : memref<640x128xf32, #tpu.memory_space<hbm>>) target_semaphore(%run_scoped3A : memref<!tpu.dma_semaphore, #tpu.memory_space<semaphore_mem>>)
        %dma_wait3A = arith.constant 0 : i32
        %dma_wait3A_27 = tpu.memref_slice %arg7[%mul3A_23, %dma_wait3A] : memref<10240x128xf32, #tpu.memory_space<hbm>> -> memref<640x128xf32, #tpu.memory_space<hbm>>
        %dma_wait3A_28 = arith.constant 0 : i32
        %dma_wait3A_29 = tpu.memref_slice %arg8[%mul3A_21, %dma_wait3A_28] : memref<10240x128xf32, #tpu.memory_space<vmem_shared>> -> memref<640x128xf32, #tpu.memory_space<vmem_shared>>
        tpu.wait_dma2 semaphore(%run_scoped3A : memref<!tpu.dma_semaphore, #tpu.memory_space<semaphore_mem>>) src(%dma_wait3A_29 : memref<640x128xf32, #tpu.memory_space<vmem_shared>>) dst(%dma_wait3A_27 : memref<640x128xf32, #tpu.memory_space<hbm>>)
        tpu.yield
      }) : () -> ()
    } else {
    }
    return
  }
}

#map = affine_map<(d0, d1) -> (0, 0)>
module attributes {stable_mosaic.version = 14 : i64} {
  func.func @_seg1_sc(%arg0: i32, %arg1: i32, %arg2: memref<10240x128xf32, #tpu.memory_space<hbm>>, %arg3: memref<10240x128xf32, #tpu.memory_space<hbm>>, %arg4: memref<1280x128xi32, #tpu.memory_space<hbm>>, %arg5: memref<1280x128xi32, #tpu.memory_space<hbm>>, %arg6: memref<10240x128xf32, #tpu.memory_space<hbm>>, %arg7: memref<10240x128xf32, #tpu.memory_space<hbm>>, %arg8: memref<10240x128xf32, #tpu.memory_space<hbm>>, %arg9: memref<10240x128xf32, #tpu.memory_space<vmem_shared>>, %arg10: memref<8x128xi32, #tpu.memory_space<vmem>>, %arg11: memref<8x128xi32, #tpu.memory_space<vmem>>, %arg12: memref<128x128xf32, #tpu.memory_space<vmem>>, %arg13: memref<128x128xf32, #tpu.memory_space<vmem>>, %arg14: memref<!tpu.dma_semaphore, #tpu.memory_space<semaphore_mem>>) attributes {dimension_semantics = [#tpu.dimension_semantics<core_parallel>, #tpu.dimension_semantics<subcore_parallel>], iteration_bounds = array<i64: 2, 16>, scalar_prefetch = 0 : i64, scratch_operands = 6 : i64, tpu.core_type = #tpu.core_type<sc_vector_subcore>, window_params = [{transform_indices = #map}, {transform_indices = #map}, {transform_indices = #map}, {transform_indices = #map}, {transform_indices = #map}, {transform_indices = #map}, {transform_indices = #map}]} {
    %mul3A = arith.constant 640 : i32
    %mul3A_0 = arith.muli %arg1, %mul3A : i32
    %mul3A_1 = arith.constant 640 : i32
    %mul3A_2 = arith.muli %arg1, %mul3A_1 : i32
    "tpu.region"() ({
      %run_scoped3A = tpu.sem_alloc : memref<!tpu.dma_semaphore, #tpu.memory_space<semaphore_mem>>
      %dma_start3A = arith.constant 0 : i32
      %dma_start3A_21 = tpu.memref_slice %arg9[%mul3A_2, %dma_start3A] : memref<10240x128xf32, #tpu.memory_space<vmem_shared>> -> memref<640x128xf32, #tpu.memory_space<vmem_shared>>
      %dma_start3A_22 = arith.constant 0 : i32
      %dma_start3A_23 = tpu.memref_slice %arg6[%mul3A_0, %dma_start3A_22] : memref<10240x128xf32, #tpu.memory_space<hbm>> -> memref<640x128xf32, #tpu.memory_space<hbm>>
      tpu.enqueue_dma source(%dma_start3A_23 : memref<640x128xf32, #tpu.memory_space<hbm>>) target(%dma_start3A_21 : memref<640x128xf32, #tpu.memory_space<vmem_shared>>) target_semaphore(%run_scoped3A : memref<!tpu.dma_semaphore, #tpu.memory_space<semaphore_mem>>)
      %dma_wait3A = arith.constant 0 : i32
      %dma_wait3A_24 = tpu.memref_slice %arg9[%mul3A_2, %dma_wait3A] : memref<10240x128xf32, #tpu.memory_space<vmem_shared>> -> memref<640x128xf32, #tpu.memory_space<vmem_shared>>
      %dma_wait3A_25 = arith.constant 0 : i32
      %dma_wait3A_26 = tpu.memref_slice %arg6[%mul3A_0, %dma_wait3A_25] : memref<10240x128xf32, #tpu.memory_space<hbm>> -> memref<640x128xf32, #tpu.memory_space<hbm>>
      tpu.wait_dma2 semaphore(%run_scoped3A : memref<!tpu.dma_semaphore, #tpu.memory_space<semaphore_mem>>) src(%dma_wait3A_26 : memref<640x128xf32, #tpu.memory_space<hbm>>) dst(%dma_wait3A_24 : memref<640x128xf32, #tpu.memory_space<vmem_shared>>)
      tpu.yield
    }) : () -> ()
    %barrier3A = arith.constant 0 : index
    tpu.barrier barrier_id(%barrier3A)
    %eq3A = arith.constant 0 : i32
    %eq3A_3 = arith.cmpi eq, %arg0, %eq3A : i32
    %convert_element_type3A = arith.extui %eq3A_3 : i1 to i32
    %cond3A = arith.constant 0 : i32
    %cond3A_4 = arith.cmpi ne, %convert_element_type3A, %cond3A : i32
    scf.if %cond3A_4 {
      %mul3A_21 = arith.constant 80 : i32
      %mul3A_22 = arith.muli %arg1, %mul3A_21 : i32
      %scan3A = arith.constant 0 : i32
      %scan3A_23 = arith.constant 0 : i32
      %scan3A_24 = arith.constant 10 : i32
      %scan3A_25 = arith.addi %scan3A_23, %scan3A_24 : i32
      %scan3A_26 = arith.constant 1 : i32
      scf.for %scan3A_28 = %scan3A_23 to %scan3A_25 step %scan3A_26  : i32 {
        %mul3A_29 = arith.constant 8 : i32
        %mul3A_30 = arith.muli %scan3A_28, %mul3A_29 : i32
        %add3A = arith.addi %mul3A_22, %mul3A_30 : i32
        "tpu.region"() ({
          %run_scoped3A = tpu.sem_alloc : memref<!tpu.dma_semaphore, #tpu.memory_space<semaphore_mem>>
          %dma_start3A_46 = arith.constant 0 : i32
          %dma_start3A_47 = tpu.memref_slice %arg4[%add3A, %dma_start3A_46] : memref<1280x128xi32, #tpu.memory_space<hbm>> -> memref<8x128xi32, #tpu.memory_space<hbm>>
          %dma_start3A_48 = arith.constant 0 : i32
          %dma_start3A_49 = tpu.memref_slice %arg4[%add3A, %dma_start3A_48] : memref<1280x128xi32, #tpu.memory_space<hbm>> -> memref<8x128xi32, #tpu.memory_space<hbm>>
          tpu.enqueue_dma source(%dma_start3A_49 : memref<8x128xi32, #tpu.memory_space<hbm>>) target(%arg10 : memref<8x128xi32, #tpu.memory_space<vmem>>) target_semaphore(%run_scoped3A : memref<!tpu.dma_semaphore, #tpu.memory_space<semaphore_mem>>)
          %dma_wait3A = arith.constant 0 : i32
          %dma_wait3A_50 = tpu.memref_slice %arg4[%add3A, %dma_wait3A] : memref<1280x128xi32, #tpu.memory_space<hbm>> -> memref<8x128xi32, #tpu.memory_space<hbm>>
          %dma_wait3A_51 = arith.constant 0 : i32
          %dma_wait3A_52 = tpu.memref_slice %arg4[%add3A, %dma_wait3A_51] : memref<1280x128xi32, #tpu.memory_space<hbm>> -> memref<8x128xi32, #tpu.memory_space<hbm>>
          tpu.wait_dma2 semaphore(%run_scoped3A : memref<!tpu.dma_semaphore, #tpu.memory_space<semaphore_mem>>) src(%dma_wait3A_52 : memref<8x128xi32, #tpu.memory_space<hbm>>) dst(%arg10 : memref<8x128xi32, #tpu.memory_space<vmem>>)
          tpu.yield
        }) : () -> ()
        %mul3A_31 = arith.constant 8 : i32
        %mul3A_32 = arith.muli %scan3A_28, %mul3A_31 : i32
        %add3A_33 = arith.addi %mul3A_22, %mul3A_32 : i32
        "tpu.region"() ({
          %run_scoped3A = tpu.sem_alloc : memref<!tpu.dma_semaphore, #tpu.memory_space<semaphore_mem>>
          %dma_start3A_46 = arith.constant 0 : i32
          %dma_start3A_47 = tpu.memref_slice %arg5[%add3A_33, %dma_start3A_46] : memref<1280x128xi32, #tpu.memory_space<hbm>> -> memref<8x128xi32, #tpu.memory_space<hbm>>
          %dma_start3A_48 = arith.constant 0 : i32
          %dma_start3A_49 = tpu.memref_slice %arg5[%add3A_33, %dma_start3A_48] : memref<1280x128xi32, #tpu.memory_space<hbm>> -> memref<8x128xi32, #tpu.memory_space<hbm>>
          tpu.enqueue_dma source(%dma_start3A_49 : memref<8x128xi32, #tpu.memory_space<hbm>>) target(%arg11 : memref<8x128xi32, #tpu.memory_space<vmem>>) target_semaphore(%run_scoped3A : memref<!tpu.dma_semaphore, #tpu.memory_space<semaphore_mem>>)
          %dma_wait3A = arith.constant 0 : i32
          %dma_wait3A_50 = tpu.memref_slice %arg5[%add3A_33, %dma_wait3A] : memref<1280x128xi32, #tpu.memory_space<hbm>> -> memref<8x128xi32, #tpu.memory_space<hbm>>
          %dma_wait3A_51 = arith.constant 0 : i32
          %dma_wait3A_52 = tpu.memref_slice %arg5[%add3A_33, %dma_wait3A_51] : memref<1280x128xi32, #tpu.memory_space<hbm>> -> memref<8x128xi32, #tpu.memory_space<hbm>>
          tpu.wait_dma2 semaphore(%run_scoped3A : memref<!tpu.dma_semaphore, #tpu.memory_space<semaphore_mem>>) src(%dma_wait3A_52 : memref<8x128xi32, #tpu.memory_space<hbm>>) dst(%arg11 : memref<8x128xi32, #tpu.memory_space<vmem>>)
          tpu.yield
        }) : () -> ()
        %dma_start3A = arith.constant 0 : i32
        %dma_start3A_34 = arith.constant 0 : i32
        %dma_start3A_35 = tpu.memref_slice %arg10[%dma_start3A, %dma_start3A_34] : memref<8x128xi32, #tpu.memory_space<vmem>> -> memref<1x128xi32, #tpu.memory_space<vmem>>
        %dma_start3A_36 = tpu.memref_squeeze %dma_start3A_35 : memref<1x128xi32, #tpu.memory_space<vmem>> -> memref<128xi32, #tpu.memory_space<vmem>>
        %dma_start3A_37 = arith.constant 0 : i32
        %dma_start3A_38 = arith.constant 0 : i32
        %dma_start3A_39 = tpu.memref_slice %arg2[%dma_start3A_37, %dma_start3A_38] : memref<10240x128xf32, #tpu.memory_space<hbm>> -> memref<10240x128xf32, #tpu.memory_space<hbm>>
        tpu.enqueue_indirect_dma source(%dma_start3A_39 : memref<10240x128xf32, #tpu.memory_space<hbm>>) target(%arg12 : memref<128x128xf32, #tpu.memory_space<vmem>>) offsets(%dma_start3A_36 : memref<128xi32, #tpu.memory_space<vmem>>) semaphore(%arg14 : memref<!tpu.dma_semaphore, #tpu.memory_space<semaphore_mem>>)
        %scan3A_40 = arith.constant 0 : i32
        %scan3A_41 = arith.constant 0 : i32
        %scan3A_42 = arith.constant 4 : i32
        %scan3A_43 = arith.addi %scan3A_41, %scan3A_42 : i32
        %scan3A_44 = arith.constant 1 : i32
        scf.for %scan3A_46 = %scan3A_41 to %scan3A_43 step %scan3A_44  : i32 {
          %mul3A_47 = arith.constant 2 : i32
          %mul3A_48 = arith.muli %mul3A_47, %scan3A_46 : i32
          %add3A_49 = arith.constant 1 : i32
          %add3A_50 = arith.addi %mul3A_48, %add3A_49 : i32
          %dma_start3A_51 = arith.constant 0 : i32
          %dma_start3A_52 = tpu.memref_slice %arg10[%add3A_50, %dma_start3A_51] : memref<8x128xi32, #tpu.memory_space<vmem>> -> memref<1x128xi32, #tpu.memory_space<vmem>>
          %dma_start3A_53 = tpu.memref_squeeze %dma_start3A_52 : memref<1x128xi32, #tpu.memory_space<vmem>> -> memref<128xi32, #tpu.memory_space<vmem>>
          %dma_start3A_54 = arith.constant 0 : i32
          %dma_start3A_55 = arith.constant 0 : i32
          %dma_start3A_56 = tpu.memref_slice %arg2[%dma_start3A_54, %dma_start3A_55] : memref<10240x128xf32, #tpu.memory_space<hbm>> -> memref<10240x128xf32, #tpu.memory_space<hbm>>
          tpu.enqueue_indirect_dma source(%dma_start3A_56 : memref<10240x128xf32, #tpu.memory_space<hbm>>) target(%arg13 : memref<128x128xf32, #tpu.memory_space<vmem>>) offsets(%dma_start3A_53 : memref<128xi32, #tpu.memory_space<vmem>>) semaphore(%arg14 : memref<!tpu.dma_semaphore, #tpu.memory_space<semaphore_mem>>)
          %dma_wait3A = arith.constant 0 : i32
          %dma_wait3A_57 = tpu.memref_slice %arg10[%mul3A_48, %dma_wait3A] : memref<8x128xi32, #tpu.memory_space<vmem>> -> memref<1x128xi32, #tpu.memory_space<vmem>>
          %dma_wait3A_58 = tpu.memref_squeeze %dma_wait3A_57 : memref<1x128xi32, #tpu.memory_space<vmem>> -> memref<128xi32, #tpu.memory_space<vmem>>
          %dma_wait3A_59 = arith.constant 0 : i32
          %dma_wait3A_60 = arith.constant 0 : i32
          %dma_wait3A_61 = tpu.memref_slice %arg2[%dma_wait3A_59, %dma_wait3A_60] : memref<10240x128xf32, #tpu.memory_space<hbm>> -> memref<10240x128xf32, #tpu.memory_space<hbm>>
          tpu.wait_indirect_dma semaphore(%arg14 : memref<!tpu.dma_semaphore, #tpu.memory_space<semaphore_mem>>) src(%dma_wait3A_61 : memref<10240x128xf32, #tpu.memory_space<hbm>>) dst(%arg12 : memref<128x128xf32, #tpu.memory_space<vmem>>)
          "tpu.region"() ({
            %run_scoped3A = tpu.sem_alloc : memref<!tpu.dma_semaphore, #tpu.memory_space<semaphore_mem>>
            %dma_start3A_76 = arith.constant 0 : i32
            %dma_start3A_77 = tpu.memref_slice %arg11[%mul3A_48, %dma_start3A_76] : memref<8x128xi32, #tpu.memory_space<vmem>> -> memref<1x128xi32, #tpu.memory_space<vmem>>
            %dma_start3A_78 = tpu.memref_squeeze %dma_start3A_77 : memref<1x128xi32, #tpu.memory_space<vmem>> -> memref<128xi32, #tpu.memory_space<vmem>>
            %dma_start3A_79 = arith.constant 0 : i32
            %dma_start3A_80 = arith.constant 0 : i32
            %dma_start3A_81 = tpu.memref_slice %arg9[%dma_start3A_79, %dma_start3A_80] : memref<10240x128xf32, #tpu.memory_space<vmem_shared>> -> memref<10240x128xf32, #tpu.memory_space<vmem_shared>>
            tpu.enqueue_indirect_dma source(%arg12 : memref<128x128xf32, #tpu.memory_space<vmem>>) target(%dma_start3A_81 : memref<10240x128xf32, #tpu.memory_space<vmem_shared>>) offsets(%dma_start3A_78 : memref<128xi32, #tpu.memory_space<vmem>>) semaphore(%run_scoped3A : memref<!tpu.dma_semaphore, #tpu.memory_space<semaphore_mem>>) {add = true}
            %dma_wait3A_82 = arith.constant 0 : i32
            %dma_wait3A_83 = tpu.memref_slice %arg11[%mul3A_48, %dma_wait3A_82] : memref<8x128xi32, #tpu.memory_space<vmem>> -> memref<1x128xi32, #tpu.memory_space<vmem>>
            %dma_wait3A_84 = tpu.memref_squeeze %dma_wait3A_83 : memref<1x128xi32, #tpu.memory_space<vmem>> -> memref<128xi32, #tpu.memory_space<vmem>>
            %dma_wait3A_85 = arith.constant 0 : i32
            %dma_wait3A_86 = arith.constant 0 : i32
            %dma_wait3A_87 = tpu.memref_slice %arg9[%dma_wait3A_85, %dma_wait3A_86] : memref<10240x128xf32, #tpu.memory_space<vmem_shared>> -> memref<10240x128xf32, #tpu.memory_space<vmem_shared>>
            tpu.wait_indirect_dma semaphore(%run_scoped3A : memref<!tpu.dma_semaphore, #tpu.memory_space<semaphore_mem>>) src(%arg12 : memref<128x128xf32, #tpu.memory_space<vmem>>) dst(%dma_wait3A_87 : memref<10240x128xf32, #tpu.memory_space<vmem_shared>>)
            tpu.yield
          }) : () -> ()
          %lt3A = arith.constant 3 : i32
          %lt3A_62 = arith.cmpi slt, %scan3A_46, %lt3A : i32
          %convert_element_type3A_63 = arith.extui %lt3A_62 : i1 to i32
          %cond3A_64 = arith.constant 0 : i32
          %cond3A_65 = arith.cmpi ne, %convert_element_type3A_63, %cond3A_64 : i32
          scf.if %cond3A_65 {
            %add3A_76 = arith.constant 2 : i32
            %add3A_77 = arith.addi %mul3A_48, %add3A_76 : i32
            %dma_start3A_78 = arith.constant 0 : i32
            %dma_start3A_79 = tpu.memref_slice %arg10[%add3A_77, %dma_start3A_78] : memref<8x128xi32, #tpu.memory_space<vmem>> -> memref<1x128xi32, #tpu.memory_space<vmem>>
            %dma_start3A_80 = tpu.memref_squeeze %dma_start3A_79 : memref<1x128xi32, #tpu.memory_space<vmem>> -> memref<128xi32, #tpu.memory_space<vmem>>
            %dma_start3A_81 = arith.constant 0 : i32
            %dma_start3A_82 = arith.constant 0 : i32
            %dma_start3A_83 = tpu.memref_slice %arg2[%dma_start3A_81, %dma_start3A_82] : memref<10240x128xf32, #tpu.memory_space<hbm>> -> memref<10240x128xf32, #tpu.memory_space<hbm>>
            tpu.enqueue_indirect_dma source(%dma_start3A_83 : memref<10240x128xf32, #tpu.memory_space<hbm>>) target(%arg12 : memref<128x128xf32, #tpu.memory_space<vmem>>) offsets(%dma_start3A_80 : memref<128xi32, #tpu.memory_space<vmem>>) semaphore(%arg14 : memref<!tpu.dma_semaphore, #tpu.memory_space<semaphore_mem>>)
          } else {
          }
          %add3A_66 = arith.constant 1 : i32
          %add3A_67 = arith.addi %mul3A_48, %add3A_66 : i32
          %dma_wait3A_68 = arith.constant 0 : i32
          %dma_wait3A_69 = tpu.memref_slice %arg10[%add3A_67, %dma_wait3A_68] : memref<8x128xi32, #tpu.memory_space<vmem>> -> memref<1x128xi32, #tpu.memory_space<vmem>>
          %dma_wait3A_70 = tpu.memref_squeeze %dma_wait3A_69 : memref<1x128xi32, #tpu.memory_space<vmem>> -> memref<128xi32, #tpu.memory_space<vmem>>
          %dma_wait3A_71 = arith.constant 0 : i32
          %dma_wait3A_72 = arith.constant 0 : i32
          %dma_wait3A_73 = tpu.memref_slice %arg2[%dma_wait3A_71, %dma_wait3A_72] : memref<10240x128xf32, #tpu.memory_space<hbm>> -> memref<10240x128xf32, #tpu.memory_space<hbm>>
          tpu.wait_indirect_dma semaphore(%arg14 : memref<!tpu.dma_semaphore, #tpu.memory_space<semaphore_mem>>) src(%dma_wait3A_73 : memref<10240x128xf32, #tpu.memory_space<hbm>>) dst(%arg13 : memref<128x128xf32, #tpu.memory_space<vmem>>)
          %add3A_74 = arith.constant 1 : i32
          %add3A_75 = arith.addi %mul3A_48, %add3A_74 : i32
          "tpu.region"() ({
            %run_scoped3A = tpu.sem_alloc : memref<!tpu.dma_semaphore, #tpu.memory_space<semaphore_mem>>
            %dma_start3A_76 = arith.constant 0 : i32
            %dma_start3A_77 = tpu.memref_slice %arg11[%add3A_75, %dma_start3A_76] : memref<8x128xi32, #tpu.memory_space<vmem>> -> memref<1x128xi32, #tpu.memory_space<vmem>>
            %dma_start3A_78 = tpu.memref_squeeze %dma_start3A_77 : memref<1x128xi32, #tpu.memory_space<vmem>> -> memref<128xi32, #tpu.memory_space<vmem>>
            %dma_start3A_79 = arith.constant 0 : i32
            %dma_start3A_80 = arith.constant 0 : i32
            %dma_start3A_81 = tpu.memref_slice %arg9[%dma_start3A_79, %dma_start3A_80] : memref<10240x128xf32, #tpu.memory_space<vmem_shared>> -> memref<10240x128xf32, #tpu.memory_space<vmem_shared>>
            tpu.enqueue_indirect_dma source(%arg13 : memref<128x128xf32, #tpu.memory_space<vmem>>) target(%dma_start3A_81 : memref<10240x128xf32, #tpu.memory_space<vmem_shared>>) offsets(%dma_start3A_78 : memref<128xi32, #tpu.memory_space<vmem>>) semaphore(%run_scoped3A : memref<!tpu.dma_semaphore, #tpu.memory_space<semaphore_mem>>) {add = true}
            %dma_wait3A_82 = arith.constant 0 : i32
            %dma_wait3A_83 = tpu.memref_slice %arg11[%add3A_75, %dma_wait3A_82] : memref<8x128xi32, #tpu.memory_space<vmem>> -> memref<1x128xi32, #tpu.memory_space<vmem>>
            %dma_wait3A_84 = tpu.memref_squeeze %dma_wait3A_83 : memref<1x128xi32, #tpu.memory_space<vmem>> -> memref<128xi32, #tpu.memory_space<vmem>>
            %dma_wait3A_85 = arith.constant 0 : i32
            %dma_wait3A_86 = arith.constant 0 : i32
            %dma_wait3A_87 = tpu.memref_slice %arg9[%dma_wait3A_85, %dma_wait3A_86] : memref<10240x128xf32, #tpu.memory_space<vmem_shared>> -> memref<10240x128xf32, #tpu.memory_space<vmem_shared>>
            tpu.wait_indirect_dma semaphore(%run_scoped3A : memref<!tpu.dma_semaphore, #tpu.memory_space<semaphore_mem>>) src(%arg13 : memref<128x128xf32, #tpu.memory_space<vmem>>) dst(%dma_wait3A_87 : memref<10240x128xf32, #tpu.memory_space<vmem_shared>>)
            tpu.yield
          }) : () -> ()
        }
        %scan3A_45 = arith.constant 4 : i32
      }
      %scan3A_27 = arith.constant 10 : i32
    } else {
    }
    %eq3A_5 = arith.constant 1 : i32
    %eq3A_6 = arith.cmpi eq, %arg0, %eq3A_5 : i32
    %convert_element_type3A_7 = arith.extui %eq3A_6 : i1 to i32
    %cond3A_8 = arith.constant 0 : i32
    %cond3A_9 = arith.cmpi ne, %convert_element_type3A_7, %cond3A_8 : i32
    scf.if %cond3A_9 {
      %mul3A_21 = arith.constant 80 : i32
      %mul3A_22 = arith.muli %arg1, %mul3A_21 : i32
      %scan3A = arith.constant 0 : i32
      %scan3A_23 = arith.constant 0 : i32
      %scan3A_24 = arith.constant 10 : i32
      %scan3A_25 = arith.addi %scan3A_23, %scan3A_24 : i32
      %scan3A_26 = arith.constant 1 : i32
      scf.for %scan3A_28 = %scan3A_23 to %scan3A_25 step %scan3A_26  : i32 {
        %mul3A_29 = arith.constant 8 : i32
        %mul3A_30 = arith.muli %scan3A_28, %mul3A_29 : i32
        %add3A = arith.addi %mul3A_22, %mul3A_30 : i32
        "tpu.region"() ({
          %run_scoped3A = tpu.sem_alloc : memref<!tpu.dma_semaphore, #tpu.memory_space<semaphore_mem>>
          %dma_start3A_46 = arith.constant 0 : i32
          %dma_start3A_47 = tpu.memref_slice %arg4[%add3A, %dma_start3A_46] : memref<1280x128xi32, #tpu.memory_space<hbm>> -> memref<8x128xi32, #tpu.memory_space<hbm>>
          %dma_start3A_48 = arith.constant 0 : i32
          %dma_start3A_49 = tpu.memref_slice %arg4[%add3A, %dma_start3A_48] : memref<1280x128xi32, #tpu.memory_space<hbm>> -> memref<8x128xi32, #tpu.memory_space<hbm>>
          tpu.enqueue_dma source(%dma_start3A_49 : memref<8x128xi32, #tpu.memory_space<hbm>>) target(%arg10 : memref<8x128xi32, #tpu.memory_space<vmem>>) target_semaphore(%run_scoped3A : memref<!tpu.dma_semaphore, #tpu.memory_space<semaphore_mem>>)
          %dma_wait3A = arith.constant 0 : i32
          %dma_wait3A_50 = tpu.memref_slice %arg4[%add3A, %dma_wait3A] : memref<1280x128xi32, #tpu.memory_space<hbm>> -> memref<8x128xi32, #tpu.memory_space<hbm>>
          %dma_wait3A_51 = arith.constant 0 : i32
          %dma_wait3A_52 = tpu.memref_slice %arg4[%add3A, %dma_wait3A_51] : memref<1280x128xi32, #tpu.memory_space<hbm>> -> memref<8x128xi32, #tpu.memory_space<hbm>>
          tpu.wait_dma2 semaphore(%run_scoped3A : memref<!tpu.dma_semaphore, #tpu.memory_space<semaphore_mem>>) src(%dma_wait3A_52 : memref<8x128xi32, #tpu.memory_space<hbm>>) dst(%arg10 : memref<8x128xi32, #tpu.memory_space<vmem>>)
          tpu.yield
        }) : () -> ()
        %mul3A_31 = arith.constant 8 : i32
        %mul3A_32 = arith.muli %scan3A_28, %mul3A_31 : i32
        %add3A_33 = arith.addi %mul3A_22, %mul3A_32 : i32
        "tpu.region"() ({
          %run_scoped3A = tpu.sem_alloc : memref<!tpu.dma_semaphore, #tpu.memory_space<semaphore_mem>>
          %dma_start3A_46 = arith.constant 0 : i32
          %dma_start3A_47 = tpu.memref_slice %arg5[%add3A_33, %dma_start3A_46] : memref<1280x128xi32, #tpu.memory_space<hbm>> -> memref<8x128xi32, #tpu.memory_space<hbm>>
          %dma_start3A_48 = arith.constant 0 : i32
          %dma_start3A_49 = tpu.memref_slice %arg5[%add3A_33, %dma_start3A_48] : memref<1280x128xi32, #tpu.memory_space<hbm>> -> memref<8x128xi32, #tpu.memory_space<hbm>>
          tpu.enqueue_dma source(%dma_start3A_49 : memref<8x128xi32, #tpu.memory_space<hbm>>) target(%arg11 : memref<8x128xi32, #tpu.memory_space<vmem>>) target_semaphore(%run_scoped3A : memref<!tpu.dma_semaphore, #tpu.memory_space<semaphore_mem>>)
          %dma_wait3A = arith.constant 0 : i32
          %dma_wait3A_50 = tpu.memref_slice %arg5[%add3A_33, %dma_wait3A] : memref<1280x128xi32, #tpu.memory_space<hbm>> -> memref<8x128xi32, #tpu.memory_space<hbm>>
          %dma_wait3A_51 = arith.constant 0 : i32
          %dma_wait3A_52 = tpu.memref_slice %arg5[%add3A_33, %dma_wait3A_51] : memref<1280x128xi32, #tpu.memory_space<hbm>> -> memref<8x128xi32, #tpu.memory_space<hbm>>
          tpu.wait_dma2 semaphore(%run_scoped3A : memref<!tpu.dma_semaphore, #tpu.memory_space<semaphore_mem>>) src(%dma_wait3A_52 : memref<8x128xi32, #tpu.memory_space<hbm>>) dst(%arg11 : memref<8x128xi32, #tpu.memory_space<vmem>>)
          tpu.yield
        }) : () -> ()
        %dma_start3A = arith.constant 0 : i32
        %dma_start3A_34 = arith.constant 0 : i32
        %dma_start3A_35 = tpu.memref_slice %arg10[%dma_start3A, %dma_start3A_34] : memref<8x128xi32, #tpu.memory_space<vmem>> -> memref<1x128xi32, #tpu.memory_space<vmem>>
        %dma_start3A_36 = tpu.memref_squeeze %dma_start3A_35 : memref<1x128xi32, #tpu.memory_space<vmem>> -> memref<128xi32, #tpu.memory_space<vmem>>
        %dma_start3A_37 = arith.constant 0 : i32
        %dma_start3A_38 = arith.constant 0 : i32
        %dma_start3A_39 = tpu.memref_slice %arg3[%dma_start3A_37, %dma_start3A_38] : memref<10240x128xf32, #tpu.memory_space<hbm>> -> memref<10240x128xf32, #tpu.memory_space<hbm>>
        tpu.enqueue_indirect_dma source(%dma_start3A_39 : memref<10240x128xf32, #tpu.memory_space<hbm>>) target(%arg12 : memref<128x128xf32, #tpu.memory_space<vmem>>) offsets(%dma_start3A_36 : memref<128xi32, #tpu.memory_space<vmem>>) semaphore(%arg14 : memref<!tpu.dma_semaphore, #tpu.memory_space<semaphore_mem>>)
        %scan3A_40 = arith.constant 0 : i32
        %scan3A_41 = arith.constant 0 : i32
        %scan3A_42 = arith.constant 4 : i32
        %scan3A_43 = arith.addi %scan3A_41, %scan3A_42 : i32
        %scan3A_44 = arith.constant 1 : i32
        scf.for %scan3A_46 = %scan3A_41 to %scan3A_43 step %scan3A_44  : i32 {
          %mul3A_47 = arith.constant 2 : i32
          %mul3A_48 = arith.muli %mul3A_47, %scan3A_46 : i32
          %add3A_49 = arith.constant 1 : i32
          %add3A_50 = arith.addi %mul3A_48, %add3A_49 : i32
          %dma_start3A_51 = arith.constant 0 : i32
          %dma_start3A_52 = tpu.memref_slice %arg10[%add3A_50, %dma_start3A_51] : memref<8x128xi32, #tpu.memory_space<vmem>> -> memref<1x128xi32, #tpu.memory_space<vmem>>
          %dma_start3A_53 = tpu.memref_squeeze %dma_start3A_52 : memref<1x128xi32, #tpu.memory_space<vmem>> -> memref<128xi32, #tpu.memory_space<vmem>>
          %dma_start3A_54 = arith.constant 0 : i32
          %dma_start3A_55 = arith.constant 0 : i32
          %dma_start3A_56 = tpu.memref_slice %arg3[%dma_start3A_54, %dma_start3A_55] : memref<10240x128xf32, #tpu.memory_space<hbm>> -> memref<10240x128xf32, #tpu.memory_space<hbm>>
          tpu.enqueue_indirect_dma source(%dma_start3A_56 : memref<10240x128xf32, #tpu.memory_space<hbm>>) target(%arg13 : memref<128x128xf32, #tpu.memory_space<vmem>>) offsets(%dma_start3A_53 : memref<128xi32, #tpu.memory_space<vmem>>) semaphore(%arg14 : memref<!tpu.dma_semaphore, #tpu.memory_space<semaphore_mem>>)
          %dma_wait3A = arith.constant 0 : i32
          %dma_wait3A_57 = tpu.memref_slice %arg10[%mul3A_48, %dma_wait3A] : memref<8x128xi32, #tpu.memory_space<vmem>> -> memref<1x128xi32, #tpu.memory_space<vmem>>
          %dma_wait3A_58 = tpu.memref_squeeze %dma_wait3A_57 : memref<1x128xi32, #tpu.memory_space<vmem>> -> memref<128xi32, #tpu.memory_space<vmem>>
          %dma_wait3A_59 = arith.constant 0 : i32
          %dma_wait3A_60 = arith.constant 0 : i32
          %dma_wait3A_61 = tpu.memref_slice %arg3[%dma_wait3A_59, %dma_wait3A_60] : memref<10240x128xf32, #tpu.memory_space<hbm>> -> memref<10240x128xf32, #tpu.memory_space<hbm>>
          tpu.wait_indirect_dma semaphore(%arg14 : memref<!tpu.dma_semaphore, #tpu.memory_space<semaphore_mem>>) src(%dma_wait3A_61 : memref<10240x128xf32, #tpu.memory_space<hbm>>) dst(%arg12 : memref<128x128xf32, #tpu.memory_space<vmem>>)
          "tpu.region"() ({
            %run_scoped3A = tpu.sem_alloc : memref<!tpu.dma_semaphore, #tpu.memory_space<semaphore_mem>>
            %dma_start3A_76 = arith.constant 0 : i32
            %dma_start3A_77 = tpu.memref_slice %arg11[%mul3A_48, %dma_start3A_76] : memref<8x128xi32, #tpu.memory_space<vmem>> -> memref<1x128xi32, #tpu.memory_space<vmem>>
            %dma_start3A_78 = tpu.memref_squeeze %dma_start3A_77 : memref<1x128xi32, #tpu.memory_space<vmem>> -> memref<128xi32, #tpu.memory_space<vmem>>
            %dma_start3A_79 = arith.constant 0 : i32
            %dma_start3A_80 = arith.constant 0 : i32
            %dma_start3A_81 = tpu.memref_slice %arg9[%dma_start3A_79, %dma_start3A_80] : memref<10240x128xf32, #tpu.memory_space<vmem_shared>> -> memref<10240x128xf32, #tpu.memory_space<vmem_shared>>
            tpu.enqueue_indirect_dma source(%arg12 : memref<128x128xf32, #tpu.memory_space<vmem>>) target(%dma_start3A_81 : memref<10240x128xf32, #tpu.memory_space<vmem_shared>>) offsets(%dma_start3A_78 : memref<128xi32, #tpu.memory_space<vmem>>) semaphore(%run_scoped3A : memref<!tpu.dma_semaphore, #tpu.memory_space<semaphore_mem>>) {add = true}
            %dma_wait3A_82 = arith.constant 0 : i32
            %dma_wait3A_83 = tpu.memref_slice %arg11[%mul3A_48, %dma_wait3A_82] : memref<8x128xi32, #tpu.memory_space<vmem>> -> memref<1x128xi32, #tpu.memory_space<vmem>>
            %dma_wait3A_84 = tpu.memref_squeeze %dma_wait3A_83 : memref<1x128xi32, #tpu.memory_space<vmem>> -> memref<128xi32, #tpu.memory_space<vmem>>
            %dma_wait3A_85 = arith.constant 0 : i32
            %dma_wait3A_86 = arith.constant 0 : i32
            %dma_wait3A_87 = tpu.memref_slice %arg9[%dma_wait3A_85, %dma_wait3A_86] : memref<10240x128xf32, #tpu.memory_space<vmem_shared>> -> memref<10240x128xf32, #tpu.memory_space<vmem_shared>>
            tpu.wait_indirect_dma semaphore(%run_scoped3A : memref<!tpu.dma_semaphore, #tpu.memory_space<semaphore_mem>>) src(%arg12 : memref<128x128xf32, #tpu.memory_space<vmem>>) dst(%dma_wait3A_87 : memref<10240x128xf32, #tpu.memory_space<vmem_shared>>)
            tpu.yield
          }) : () -> ()
          %lt3A = arith.constant 3 : i32
          %lt3A_62 = arith.cmpi slt, %scan3A_46, %lt3A : i32
          %convert_element_type3A_63 = arith.extui %lt3A_62 : i1 to i32
          %cond3A_64 = arith.constant 0 : i32
          %cond3A_65 = arith.cmpi ne, %convert_element_type3A_63, %cond3A_64 : i32
          scf.if %cond3A_65 {
            %add3A_76 = arith.constant 2 : i32
            %add3A_77 = arith.addi %mul3A_48, %add3A_76 : i32
            %dma_start3A_78 = arith.constant 0 : i32
            %dma_start3A_79 = tpu.memref_slice %arg10[%add3A_77, %dma_start3A_78] : memref<8x128xi32, #tpu.memory_space<vmem>> -> memref<1x128xi32, #tpu.memory_space<vmem>>
            %dma_start3A_80 = tpu.memref_squeeze %dma_start3A_79 : memref<1x128xi32, #tpu.memory_space<vmem>> -> memref<128xi32, #tpu.memory_space<vmem>>
            %dma_start3A_81 = arith.constant 0 : i32
            %dma_start3A_82 = arith.constant 0 : i32
            %dma_start3A_83 = tpu.memref_slice %arg3[%dma_start3A_81, %dma_start3A_82] : memref<10240x128xf32, #tpu.memory_space<hbm>> -> memref<10240x128xf32, #tpu.memory_space<hbm>>
            tpu.enqueue_indirect_dma source(%dma_start3A_83 : memref<10240x128xf32, #tpu.memory_space<hbm>>) target(%arg12 : memref<128x128xf32, #tpu.memory_space<vmem>>) offsets(%dma_start3A_80 : memref<128xi32, #tpu.memory_space<vmem>>) semaphore(%arg14 : memref<!tpu.dma_semaphore, #tpu.memory_space<semaphore_mem>>)
          } else {
          }
          %add3A_66 = arith.constant 1 : i32
          %add3A_67 = arith.addi %mul3A_48, %add3A_66 : i32
          %dma_wait3A_68 = arith.constant 0 : i32
          %dma_wait3A_69 = tpu.memref_slice %arg10[%add3A_67, %dma_wait3A_68] : memref<8x128xi32, #tpu.memory_space<vmem>> -> memref<1x128xi32, #tpu.memory_space<vmem>>
          %dma_wait3A_70 = tpu.memref_squeeze %dma_wait3A_69 : memref<1x128xi32, #tpu.memory_space<vmem>> -> memref<128xi32, #tpu.memory_space<vmem>>
          %dma_wait3A_71 = arith.constant 0 : i32
          %dma_wait3A_72 = arith.constant 0 : i32
          %dma_wait3A_73 = tpu.memref_slice %arg3[%dma_wait3A_71, %dma_wait3A_72] : memref<10240x128xf32, #tpu.memory_space<hbm>> -> memref<10240x128xf32, #tpu.memory_space<hbm>>
          tpu.wait_indirect_dma semaphore(%arg14 : memref<!tpu.dma_semaphore, #tpu.memory_space<semaphore_mem>>) src(%dma_wait3A_73 : memref<10240x128xf32, #tpu.memory_space<hbm>>) dst(%arg13 : memref<128x128xf32, #tpu.memory_space<vmem>>)
          %add3A_74 = arith.constant 1 : i32
          %add3A_75 = arith.addi %mul3A_48, %add3A_74 : i32
          "tpu.region"() ({
            %run_scoped3A = tpu.sem_alloc : memref<!tpu.dma_semaphore, #tpu.memory_space<semaphore_mem>>
            %dma_start3A_76 = arith.constant 0 : i32
            %dma_start3A_77 = tpu.memref_slice %arg11[%add3A_75, %dma_start3A_76] : memref<8x128xi32, #tpu.memory_space<vmem>> -> memref<1x128xi32, #tpu.memory_space<vmem>>
            %dma_start3A_78 = tpu.memref_squeeze %dma_start3A_77 : memref<1x128xi32, #tpu.memory_space<vmem>> -> memref<128xi32, #tpu.memory_space<vmem>>
            %dma_start3A_79 = arith.constant 0 : i32
            %dma_start3A_80 = arith.constant 0 : i32
            %dma_start3A_81 = tpu.memref_slice %arg9[%dma_start3A_79, %dma_start3A_80] : memref<10240x128xf32, #tpu.memory_space<vmem_shared>> -> memref<10240x128xf32, #tpu.memory_space<vmem_shared>>
            tpu.enqueue_indirect_dma source(%arg13 : memref<128x128xf32, #tpu.memory_space<vmem>>) target(%dma_start3A_81 : memref<10240x128xf32, #tpu.memory_space<vmem_shared>>) offsets(%dma_start3A_78 : memref<128xi32, #tpu.memory_space<vmem>>) semaphore(%run_scoped3A : memref<!tpu.dma_semaphore, #tpu.memory_space<semaphore_mem>>) {add = true}
            %dma_wait3A_82 = arith.constant 0 : i32
            %dma_wait3A_83 = tpu.memref_slice %arg11[%add3A_75, %dma_wait3A_82] : memref<8x128xi32, #tpu.memory_space<vmem>> -> memref<1x128xi32, #tpu.memory_space<vmem>>
            %dma_wait3A_84 = tpu.memref_squeeze %dma_wait3A_83 : memref<1x128xi32, #tpu.memory_space<vmem>> -> memref<128xi32, #tpu.memory_space<vmem>>
            %dma_wait3A_85 = arith.constant 0 : i32
            %dma_wait3A_86 = arith.constant 0 : i32
            %dma_wait3A_87 = tpu.memref_slice %arg9[%dma_wait3A_85, %dma_wait3A_86] : memref<10240x128xf32, #tpu.memory_space<vmem_shared>> -> memref<10240x128xf32, #tpu.memory_space<vmem_shared>>
            tpu.wait_indirect_dma semaphore(%run_scoped3A : memref<!tpu.dma_semaphore, #tpu.memory_space<semaphore_mem>>) src(%arg13 : memref<128x128xf32, #tpu.memory_space<vmem>>) dst(%dma_wait3A_87 : memref<10240x128xf32, #tpu.memory_space<vmem_shared>>)
            tpu.yield
          }) : () -> ()
        }
        %scan3A_45 = arith.constant 4 : i32
      }
      %scan3A_27 = arith.constant 10 : i32
    } else {
    }
    %barrier3A_10 = arith.constant 0 : index
    tpu.barrier barrier_id(%barrier3A_10)
    %eq3A_11 = arith.constant 0 : i32
    %eq3A_12 = arith.cmpi eq, %arg0, %eq3A_11 : i32
    %convert_element_type3A_13 = arith.extui %eq3A_12 : i1 to i32
    %cond3A_14 = arith.constant 0 : i32
    %cond3A_15 = arith.cmpi ne, %convert_element_type3A_13, %cond3A_14 : i32
    scf.if %cond3A_15 {
      %mul3A_21 = arith.constant 640 : i32
      %mul3A_22 = arith.muli %arg1, %mul3A_21 : i32
      %mul3A_23 = arith.constant 640 : i32
      %mul3A_24 = arith.muli %arg1, %mul3A_23 : i32
      "tpu.region"() ({
        %run_scoped3A = tpu.sem_alloc : memref<!tpu.dma_semaphore, #tpu.memory_space<semaphore_mem>>
        %dma_start3A = arith.constant 0 : i32
        %dma_start3A_25 = tpu.memref_slice %arg7[%mul3A_24, %dma_start3A] : memref<10240x128xf32, #tpu.memory_space<hbm>> -> memref<640x128xf32, #tpu.memory_space<hbm>>
        %dma_start3A_26 = arith.constant 0 : i32
        %dma_start3A_27 = tpu.memref_slice %arg9[%mul3A_22, %dma_start3A_26] : memref<10240x128xf32, #tpu.memory_space<vmem_shared>> -> memref<640x128xf32, #tpu.memory_space<vmem_shared>>
        tpu.enqueue_dma source(%dma_start3A_27 : memref<640x128xf32, #tpu.memory_space<vmem_shared>>) target(%dma_start3A_25 : memref<640x128xf32, #tpu.memory_space<hbm>>) target_semaphore(%run_scoped3A : memref<!tpu.dma_semaphore, #tpu.memory_space<semaphore_mem>>)
        %dma_wait3A = arith.constant 0 : i32
        %dma_wait3A_28 = tpu.memref_slice %arg7[%mul3A_24, %dma_wait3A] : memref<10240x128xf32, #tpu.memory_space<hbm>> -> memref<640x128xf32, #tpu.memory_space<hbm>>
        %dma_wait3A_29 = arith.constant 0 : i32
        %dma_wait3A_30 = tpu.memref_slice %arg9[%mul3A_22, %dma_wait3A_29] : memref<10240x128xf32, #tpu.memory_space<vmem_shared>> -> memref<640x128xf32, #tpu.memory_space<vmem_shared>>
        tpu.wait_dma2 semaphore(%run_scoped3A : memref<!tpu.dma_semaphore, #tpu.memory_space<semaphore_mem>>) src(%dma_wait3A_30 : memref<640x128xf32, #tpu.memory_space<vmem_shared>>) dst(%dma_wait3A_28 : memref<640x128xf32, #tpu.memory_space<hbm>>)
        tpu.yield
      }) : () -> ()
    } else {
    }
    %eq3A_16 = arith.constant 1 : i32
    %eq3A_17 = arith.cmpi eq, %arg0, %eq3A_16 : i32
    %convert_element_type3A_18 = arith.extui %eq3A_17 : i1 to i32
    %cond3A_19 = arith.constant 0 : i32
    %cond3A_20 = arith.cmpi ne, %convert_element_type3A_18, %cond3A_19 : i32
    scf.if %cond3A_20 {
      %mul3A_21 = arith.constant 640 : i32
      %mul3A_22 = arith.muli %arg1, %mul3A_21 : i32
      %mul3A_23 = arith.constant 640 : i32
      %mul3A_24 = arith.muli %arg1, %mul3A_23 : i32
      "tpu.region"() ({
        %run_scoped3A = tpu.sem_alloc : memref<!tpu.dma_semaphore, #tpu.memory_space<semaphore_mem>>
        %dma_start3A = arith.constant 0 : i32
        %dma_start3A_25 = tpu.memref_slice %arg8[%mul3A_24, %dma_start3A] : memref<10240x128xf32, #tpu.memory_space<hbm>> -> memref<640x128xf32, #tpu.memory_space<hbm>>
        %dma_start3A_26 = arith.constant 0 : i32
        %dma_start3A_27 = tpu.memref_slice %arg9[%mul3A_22, %dma_start3A_26] : memref<10240x128xf32, #tpu.memory_space<vmem_shared>> -> memref<640x128xf32, #tpu.memory_space<vmem_shared>>
        tpu.enqueue_dma source(%dma_start3A_27 : memref<640x128xf32, #tpu.memory_space<vmem_shared>>) target(%dma_start3A_25 : memref<640x128xf32, #tpu.memory_space<hbm>>) target_semaphore(%run_scoped3A : memref<!tpu.dma_semaphore, #tpu.memory_space<semaphore_mem>>)
        %dma_wait3A = arith.constant 0 : i32
        %dma_wait3A_28 = tpu.memref_slice %arg8[%mul3A_24, %dma_wait3A] : memref<10240x128xf32, #tpu.memory_space<hbm>> -> memref<640x128xf32, #tpu.memory_space<hbm>>
        %dma_wait3A_29 = arith.constant 0 : i32
        %dma_wait3A_30 = tpu.memref_slice %arg9[%mul3A_22, %dma_wait3A_29] : memref<10240x128xf32, #tpu.memory_space<vmem_shared>> -> memref<640x128xf32, #tpu.memory_space<vmem_shared>>
        tpu.wait_dma2 semaphore(%run_scoped3A : memref<!tpu.dma_semaphore, #tpu.memory_space<semaphore_mem>>) src(%dma_wait3A_30 : memref<640x128xf32, #tpu.memory_space<vmem_shared>>) dst(%dma_wait3A_28 : memref<640x128xf32, #tpu.memory_space<hbm>>)
        tpu.yield
      }) : () -> ()
    } else {
    }
    return
  }
}

module attributes {stable_mosaic.version = 14 : i64} {
  func.func @_mm1_body(%arg0: i32, %arg1: memref<1024x256xf32, #tpu.memory_space<vmem>>, %arg2: memref<256x256xf32, #tpu.memory_space<vmem>>, %arg3: memref<1024xf32, #tpu.memory_space<vmem>>, %arg4: memref<1024x128xf32, #tpu.memory_space<vmem>>, %arg5: memref<1024x128xf32, #tpu.memory_space<vmem>>) attributes {dimension_semantics = [#tpu.dimension_semantics<arbitrary>], iteration_bounds = array<i64: 10>, scalar_prefetch = 0 : i64, scratch_operands = 0 : i64, tpu.core_type = #tpu.core_type<tc>, window_params = [{transform_indices = @transform_0, window_bounds = array<i64: 1024, 256>}, {pipeline_mode = #tpu.pipeline_mode<synchronous>, transform_indices = @transform_1, window_bounds = array<i64: 256, 256>}, {transform_indices = @transform_2, window_bounds = array<i64: 1024>}, {transform_indices = @transform_3, window_bounds = array<i64: 1024, 128>}, {transform_indices = @transform_4, window_bounds = array<i64: 1024, 128>}]} {
    %get3A = arith.constant 0 : index
    %get3A_0 = vector.load %arg3[%get3A] : memref<1024xf32, #tpu.memory_space<vmem>>, vector<1024xf32>
    %max3A = arith.constant 1.000000e+00 : f32
    %max3A_1 = vector.broadcast %max3A : f32 to vector<1024xf32>
    %max3A_2 = arith.maximumf %get3A_0, %max3A_1 : vector<1024xf32>
    %rsqrt3A = math.rsqrt %max3A_2 : vector<1024xf32>
    %get3A_3 = arith.constant 0 : index
    %get3A_4 = arith.constant 0 : index
    %get3A_5 = vector.load %arg1[%get3A_3, %get3A_4] : memref<1024x256xf32, #tpu.memory_space<vmem>>, vector<1024x256xf32>
    %get3A_6 = arith.constant 0 : index
    %get3A_7 = arith.constant 0 : index
    %get3A_8 = vector.load %arg2[%get3A_6, %get3A_7] : memref<256x256xf32, #tpu.memory_space<vmem>>, vector<256x256xf32>
    %dot_general3A = arith.constant dense<0.000000e+00> : vector<1024x256xf32>
    %dot_general3A_9 = tpu.matmul %get3A_5, %get3A_8, %dot_general3A {dimension_numbers = #tpu.dot_dimension_numbers<[1], [0], [0], [1], [0, 0, 1, 1], [], []>, transpose_lhs_hint = false} : vector<1024x256xf32>, vector<256x256xf32>, vector<1024x256xf32> -> vector<1024x256xf32>
    %broadcast_in_dim3A = vector.shape_cast %rsqrt3A : vector<1024xf32> to vector<1024x1xf32>
    %mul3A = vector.broadcast %broadcast_in_dim3A : vector<1024x1xf32> to vector<1024x256xf32>
    %mul3A_10 = arith.mulf %dot_general3A_9, %mul3A : vector<1024x256xf32>
    %slice3A = vector.extract_strided_slice %mul3A_10 {offsets = [0, 0], sizes = [1024, 128], strides = [1, 1]} : vector<1024x256xf32> to vector<1024x128xf32>
    %swap3A = arith.constant 0 : index
    %swap3A_11 = arith.constant 0 : index
    %swap3A_12 = vector.load %arg4[%swap3A, %swap3A_11] : memref<1024x128xf32, #tpu.memory_space<vmem>>, vector<1024x128xf32>
    tpu.vector_store %arg4[%swap3A, %swap3A_11], %slice3A {strides = array<i32>} : memref<1024x128xf32, #tpu.memory_space<vmem>>, vector<1024x128xf32>,
    %slice3A_13 = vector.extract_strided_slice %mul3A_10 {offsets = [0, 128], sizes = [1024, 128], strides = [1, 1]} : vector<1024x256xf32> to vector<1024x128xf32>
    %swap3A_14 = arith.constant 0 : index
    %swap3A_15 = arith.constant 0 : index
    %swap3A_16 = vector.load %arg5[%swap3A_14, %swap3A_15] : memref<1024x128xf32, #tpu.memory_space<vmem>>, vector<1024x128xf32>
    tpu.vector_store %arg5[%swap3A_14, %swap3A_15], %slice3A_13 {strides = array<i32>} : memref<1024x128xf32, #tpu.memory_space<vmem>>, vector<1024x128xf32>,
    return
  }
  func.func @transform_0(%arg0: i32) -> (i32, i32) {
    %c0_i32 = arith.constant 0 : i32
    %c0_i32_0 = arith.constant 0 : i32
    return %arg0, %c0_i32 : i32, i32
  }
  func.func @transform_1(%arg0: i32) -> (i32, i32) {
    %c0_i32 = arith.constant 0 : i32
    %c0_i32_0 = arith.constant 0 : i32
    %c0_i32_1 = arith.constant 0 : i32
    return %c0_i32, %c0_i32_0 : i32, i32
  }
  func.func @transform_2(%arg0: i32) -> i32 {
    %c0_i32 = arith.constant 0 : i32
    return %arg0 : i32
  }
  func.func @transform_3(%arg0: i32) -> (i32, i32) {
    %c0_i32 = arith.constant 0 : i32
    %c0_i32_0 = arith.constant 0 : i32
    return %arg0, %c0_i32 : i32, i32
  }
  func.func @transform_4(%arg0: i32) -> (i32, i32) {
    %c0_i32 = arith.constant 0 : i32
    %c0_i32_0 = arith.constant 0 : i32
    return %arg0, %c0_i32 : i32, i32
  }
}

module attributes {stable_mosaic.version = 14 : i64} {
  func.func @_mm2_body(%arg0: i32, %arg1: memref<1024x128xf32, #tpu.memory_space<vmem>>, %arg2: memref<1024x128xf32, #tpu.memory_space<vmem>>, %arg3: memref<1024xf32, #tpu.memory_space<vmem>>, %arg4: memref<1024xf32, #tpu.memory_space<vmem>>, %arg5: memref<256x128xf32, #tpu.memory_space<vmem>>, %arg6: memref<1024x128xf32, #tpu.memory_space<vmem>>) attributes {dimension_semantics = [#tpu.dimension_semantics<arbitrary>], iteration_bounds = array<i64: 10>, scalar_prefetch = 0 : i64, scratch_operands = 0 : i64, tpu.core_type = #tpu.core_type<tc>, window_params = [{transform_indices = @transform_0, window_bounds = array<i64: 1024, 128>}, {transform_indices = @transform_1, window_bounds = array<i64: 1024, 128>}, {transform_indices = @transform_2, window_bounds = array<i64: 1024>}, {transform_indices = @transform_3, window_bounds = array<i64: 1024>}, {pipeline_mode = #tpu.pipeline_mode<synchronous>, transform_indices = @transform_4, window_bounds = array<i64: 256, 128>}, {transform_indices = @transform_5, window_bounds = array<i64: 1024, 128>}]} {
    %get3A = arith.constant 0 : index
    %get3A_0 = vector.load %arg3[%get3A] : memref<1024xf32, #tpu.memory_space<vmem>>, vector<1024xf32>
    %max3A = arith.constant 1.000000e+00 : f32
    %max3A_1 = vector.broadcast %max3A : f32 to vector<1024xf32>
    %max3A_2 = arith.maximumf %get3A_0, %max3A_1 : vector<1024xf32>
    %rsqrt3A = math.rsqrt %max3A_2 : vector<1024xf32>
    %get3A_3 = arith.constant 0 : index
    %get3A_4 = vector.load %arg4[%get3A_3] : memref<1024xf32, #tpu.memory_space<vmem>>, vector<1024xf32>
    %max3A_5 = arith.constant 1.000000e+00 : f32
    %max3A_6 = vector.broadcast %max3A_5 : f32 to vector<1024xf32>
    %max3A_7 = arith.maximumf %get3A_4, %max3A_6 : vector<1024xf32>
    %rsqrt3A_8 = math.rsqrt %max3A_7 : vector<1024xf32>
    %get3A_9 = arith.constant 0 : index
    %get3A_10 = arith.constant 0 : index
    %get3A_11 = vector.load %arg1[%get3A_9, %get3A_10] : memref<1024x128xf32, #tpu.memory_space<vmem>>, vector<1024x128xf32>
    %get3A_12 = arith.constant 0 : index
    %get3A_13 = arith.constant 0 : index
    %get3A_14 = vector.load %arg2[%get3A_12, %get3A_13] : memref<1024x128xf32, #tpu.memory_space<vmem>>, vector<1024x128xf32>
    %concatenate3A = tpu.concatenate %get3A_11, %get3A_14 in 1 : vector<1024x128xf32>, vector<1024x128xf32> -> vector<1024x256xf32>
    %broadcast_in_dim3A = vector.shape_cast %rsqrt3A : vector<1024xf32> to vector<1024x1xf32>
    %mul3A = vector.broadcast %broadcast_in_dim3A : vector<1024x1xf32> to vector<1024x256xf32>
    %mul3A_15 = arith.mulf %concatenate3A, %mul3A : vector<1024x256xf32>
    %max3A_16 = arith.constant 0.000000e+00 : f32
    %max3A_17 = vector.broadcast %max3A_16 : f32 to vector<1024x256xf32>
    %max3A_18 = arith.maximumf %mul3A_15, %max3A_17 : vector<1024x256xf32>
    %get3A_19 = arith.constant 0 : index
    %get3A_20 = arith.constant 0 : index
    %get3A_21 = vector.load %arg5[%get3A_19, %get3A_20] : memref<256x128xf32, #tpu.memory_space<vmem>>, vector<256x128xf32>
    %dot_general3A = arith.constant dense<0.000000e+00> : vector<1024x128xf32>
    %dot_general3A_22 = tpu.matmul %max3A_18, %get3A_21, %dot_general3A {dimension_numbers = #tpu.dot_dimension_numbers<[1], [0], [0], [1], [0, 0, 1, 1], [], []>, transpose_lhs_hint = false} : vector<1024x256xf32>, vector<256x128xf32>, vector<1024x128xf32> -> vector<1024x128xf32>
    %broadcast_in_dim3A_23 = vector.shape_cast %rsqrt3A_8 : vector<1024xf32> to vector<1024x1xf32>
    %mul3A_24 = vector.broadcast %broadcast_in_dim3A_23 : vector<1024x1xf32> to vector<1024x128xf32>
    %mul3A_25 = arith.mulf %dot_general3A_22, %mul3A_24 : vector<1024x128xf32>
    %swap3A = arith.constant 0 : index
    %swap3A_26 = arith.constant 0 : index
    %swap3A_27 = vector.load %arg6[%swap3A, %swap3A_26] : memref<1024x128xf32, #tpu.memory_space<vmem>>, vector<1024x128xf32>
    tpu.vector_store %arg6[%swap3A, %swap3A_26], %mul3A_25 {strides = array<i32>} : memref<1024x128xf32, #tpu.memory_space<vmem>>, vector<1024x128xf32>,
    return
  }
  func.func @transform_0(%arg0: i32) -> (i32, i32) {
    %c0_i32 = arith.constant 0 : i32
    %c0_i32_0 = arith.constant 0 : i32
    return %arg0, %c0_i32 : i32, i32
  }
  func.func @transform_1(%arg0: i32) -> (i32, i32) {
    %c0_i32 = arith.constant 0 : i32
    %c0_i32_0 = arith.constant 0 : i32
    return %arg0, %c0_i32 : i32, i32
  }
  func.func @transform_2(%arg0: i32) -> i32 {
    %c0_i32 = arith.constant 0 : i32
    return %arg0 : i32
  }
  func.func @transform_3(%arg0: i32) -> i32 {
    %c0_i32 = arith.constant 0 : i32
    return %arg0 : i32
  }
  func.func @transform_4(%arg0: i32) -> (i32, i32) {
    %c0_i32 = arith.constant 0 : i32
    %c0_i32_0 = arith.constant 0 : i32
    %c0_i32_1 = arith.constant 0 : i32
    return %c0_i32, %c0_i32_0 : i32, i32
  }
  func.func @transform_5(%arg0: i32) -> (i32, i32) {
    %c0_i32 = arith.constant 0 : i32
    %c0_i32_0 = arith.constant 0 : i32
    return %arg0, %c0_i32 : i32, i32
  }
}

module attributes {stable_mosaic.version = 14 : i64} {
  func.func @_dec_body(%arg0: i32, %arg1: i32, %arg2: memref<512x128xf32, #tpu.memory_space<vmem>>, %arg3: memref<512x128xf32, #tpu.memory_space<vmem>>, %arg4: memref<512xf32, #tpu.memory_space<vmem>>, %arg5: memref<512x64xf32, #tpu.memory_space<vmem>>, %arg6: memref<1024x128xf32, #tpu.memory_space<vmem>>, %arg7: memref<1024x128xf32, #tpu.memory_space<vmem>>, %arg8: memref<1024xf32, #tpu.memory_space<vmem>>, %arg9: memref<1024x64xf32, #tpu.memory_space<vmem>>, %arg10: memref<512x1024xf32, #tpu.memory_space<vmem>>) attributes {dimension_semantics = [#tpu.dimension_semantics<arbitrary>, #tpu.dimension_semantics<arbitrary>], iteration_bounds = array<i64: 20, 10>, scalar_prefetch = 0 : i64, scratch_operands = 0 : i64, tpu.core_type = #tpu.core_type<tc>, window_params = [{transform_indices = @transform_0, window_bounds = array<i64: 512, 128>}, {transform_indices = @transform_1, window_bounds = array<i64: 512, 128>}, {transform_indices = @transform_2, window_bounds = array<i64: 512>}, {transform_indices = @transform_3, window_bounds = array<i64: 512, 64>}, {transform_indices = @transform_4, window_bounds = array<i64: 1024, 128>}, {transform_indices = @transform_5, window_bounds = array<i64: 1024, 128>}, {transform_indices = @transform_6, window_bounds = array<i64: 1024>}, {transform_indices = @transform_7, window_bounds = array<i64: 1024, 64>}, {transform_indices = @transform_8, window_bounds = array<i64: 512, 1024>}]} {
    %get3A = arith.constant 0 : index
    %get3A_0 = vector.load %arg4[%get3A] : memref<512xf32, #tpu.memory_space<vmem>>, vector<512xf32>
    %max3A = arith.constant 1.000000e+00 : f32
    %max3A_1 = vector.broadcast %max3A : f32 to vector<512xf32>
    %max3A_2 = arith.maximumf %get3A_0, %max3A_1 : vector<512xf32>
    %rsqrt3A = math.rsqrt %max3A_2 : vector<512xf32>
    %broadcast_in_dim3A = vector.shape_cast %rsqrt3A : vector<512xf32> to vector<512x1xf32>
    %get3A_3 = arith.constant 0 : index
    %get3A_4 = arith.constant 0 : index
    %get3A_5 = vector.load %arg2[%get3A_3, %get3A_4] : memref<512x128xf32, #tpu.memory_space<vmem>>, vector<512x128xf32>
    %get3A_6 = arith.constant 0 : index
    %get3A_7 = arith.constant 0 : index
    %get3A_8 = vector.load %arg3[%get3A_6, %get3A_7] : memref<512x128xf32, #tpu.memory_space<vmem>>, vector<512x128xf32>
    %add3A = arith.addf %get3A_5, %get3A_8 : vector<512x128xf32>
    %slice3A = vector.extract_strided_slice %add3A {offsets = [0, 0], sizes = [512, 64], strides = [1, 1]} : vector<512x128xf32> to vector<512x64xf32>
    %mul3A = vector.broadcast %broadcast_in_dim3A : vector<512x1xf32> to vector<512x64xf32>
    %mul3A_9 = arith.mulf %slice3A, %mul3A : vector<512x64xf32>
    %slice3A_10 = vector.extract_strided_slice %add3A {offsets = [0, 64], sizes = [512, 64], strides = [1, 1]} : vector<512x128xf32> to vector<512x64xf32>
    %mul3A_11 = vector.broadcast %broadcast_in_dim3A : vector<512x1xf32> to vector<512x64xf32>
    %mul3A_12 = arith.mulf %slice3A_10, %mul3A_11 : vector<512x64xf32>
    %mul3A_13 = arith.constant 5.000000e-01 : f32
    %mul3A_14 = vector.broadcast %mul3A_13 : f32 to vector<512x64xf32>
    %mul3A_15 = arith.mulf %mul3A_14, %mul3A_12 : vector<512x64xf32>
    %exp3A = math.exp %mul3A_15 : vector<512x64xf32>
    %get3A_16 = arith.constant 0 : index
    %get3A_17 = arith.constant 0 : index
    %get3A_18 = vector.load %arg5[%get3A_16, %get3A_17] : memref<512x64xf32, #tpu.memory_space<vmem>>, vector<512x64xf32>
    %mul3A_19 = arith.mulf %exp3A, %get3A_18 : vector<512x64xf32>
    %add3A_20 = arith.addf %mul3A_9, %mul3A_19 : vector<512x64xf32>
    %get3A_21 = arith.constant 0 : index
    %get3A_22 = vector.load %arg8[%get3A_21] : memref<1024xf32, #tpu.memory_space<vmem>>, vector<1024xf32>
    %max3A_23 = arith.constant 1.000000e+00 : f32
    %max3A_24 = vector.broadcast %max3A_23 : f32 to vector<1024xf32>
    %max3A_25 = arith.maximumf %get3A_22, %max3A_24 : vector<1024xf32>
    %rsqrt3A_26 = math.rsqrt %max3A_25 : vector<1024xf32>
    %broadcast_in_dim3A_27 = vector.shape_cast %rsqrt3A_26 : vector<1024xf32> to vector<1024x1xf32>
    %get3A_28 = arith.constant 0 : index
    %get3A_29 = arith.constant 0 : index
    %get3A_30 = vector.load %arg6[%get3A_28, %get3A_29] : memref<1024x128xf32, #tpu.memory_space<vmem>>, vector<1024x128xf32>
    %get3A_31 = arith.constant 0 : index
    %get3A_32 = arith.constant 0 : index
    %get3A_33 = vector.load %arg7[%get3A_31, %get3A_32] : memref<1024x128xf32, #tpu.memory_space<vmem>>, vector<1024x128xf32>
    %add3A_34 = arith.addf %get3A_30, %get3A_33 : vector<1024x128xf32>
    %slice3A_35 = vector.extract_strided_slice %add3A_34 {offsets = [0, 0], sizes = [1024, 64], strides = [1, 1]} : vector<1024x128xf32> to vector<1024x64xf32>
    %mul3A_36 = vector.broadcast %broadcast_in_dim3A_27 : vector<1024x1xf32> to vector<1024x64xf32>
    %mul3A_37 = arith.mulf %slice3A_35, %mul3A_36 : vector<1024x64xf32>
    %slice3A_38 = vector.extract_strided_slice %add3A_34 {offsets = [0, 64], sizes = [1024, 64], strides = [1, 1]} : vector<1024x128xf32> to vector<1024x64xf32>
    %mul3A_39 = vector.broadcast %broadcast_in_dim3A_27 : vector<1024x1xf32> to vector<1024x64xf32>
    %mul3A_40 = arith.mulf %slice3A_38, %mul3A_39 : vector<1024x64xf32>
    %mul3A_41 = arith.constant 5.000000e-01 : f32
    %mul3A_42 = vector.broadcast %mul3A_41 : f32 to vector<1024x64xf32>
    %mul3A_43 = arith.mulf %mul3A_42, %mul3A_40 : vector<1024x64xf32>
    %exp3A_44 = math.exp %mul3A_43 : vector<1024x64xf32>
    %get3A_45 = arith.constant 0 : index
    %get3A_46 = arith.constant 0 : index
    %get3A_47 = vector.load %arg9[%get3A_45, %get3A_46] : memref<1024x64xf32, #tpu.memory_space<vmem>>, vector<1024x64xf32>
    %mul3A_48 = arith.mulf %exp3A_44, %get3A_47 : vector<1024x64xf32>
    %add3A_49 = arith.addf %mul3A_37, %mul3A_48 : vector<1024x64xf32>
    %dot_general3A = arith.constant dense<0.000000e+00> : vector<512x1024xf32>
    %dot_general3A_50 = tpu.matmul %add3A_20, %add3A_49, %dot_general3A {dimension_numbers = #tpu.dot_dimension_numbers<[1], [1], [0], [0], [0, 0, 1, 0], [], []>, transpose_lhs_hint = false} : vector<512x64xf32>, vector<1024x64xf32>, vector<512x1024xf32> -> vector<512x1024xf32>
    %logistic3A = arith.negf %dot_general3A_50 : vector<512x1024xf32>
    %logistic3A_51 = math.exp %logistic3A : vector<512x1024xf32>
    %logistic3A_52 = arith.constant 1.000000e+00 : f32
    %logistic3A_53 = vector.broadcast %logistic3A_52 : f32 to vector<512x1024xf32>
    %logistic3A_54 = arith.addf %logistic3A_53, %logistic3A_51 : vector<512x1024xf32>
    %logistic3A_55 = arith.divf %logistic3A_53, %logistic3A_54 : vector<512x1024xf32>
    %swap3A = arith.constant 0 : index
    %swap3A_56 = arith.constant 0 : index
    %swap3A_57 = vector.load %arg10[%swap3A, %swap3A_56] : memref<512x1024xf32, #tpu.memory_space<vmem>>, vector<512x1024xf32>
    tpu.vector_store %arg10[%swap3A, %swap3A_56], %logistic3A_55 {strides = array<i32>} : memref<512x1024xf32, #tpu.memory_space<vmem>>, vector<512x1024xf32>,
    return
  }
  func.func @transform_0(%arg0: i32, %arg1: i32) -> (i32, i32) {
    %c0_i32 = arith.constant 0 : i32
    %c0_i32_0 = arith.constant 0 : i32
    return %arg0, %c0_i32 : i32, i32
  }
  func.func @transform_1(%arg0: i32, %arg1: i32) -> (i32, i32) {
    %c0_i32 = arith.constant 0 : i32
    %c0_i32_0 = arith.constant 0 : i32
    return %arg0, %c0_i32 : i32, i32
  }
  func.func @transform_2(%arg0: i32, %arg1: i32) -> i32 {
    %c0_i32 = arith.constant 0 : i32
    return %arg0 : i32
  }
  func.func @transform_3(%arg0: i32, %arg1: i32) -> (i32, i32) {
    %c0_i32 = arith.constant 0 : i32
    %c0_i32_0 = arith.constant 0 : i32
    return %arg0, %c0_i32 : i32, i32
  }
  func.func @transform_4(%arg0: i32, %arg1: i32) -> (i32, i32) {
    %c0_i32 = arith.constant 0 : i32
    %c0_i32_0 = arith.constant 0 : i32
    return %arg1, %c0_i32 : i32, i32
  }
  func.func @transform_5(%arg0: i32, %arg1: i32) -> (i32, i32) {
    %c0_i32 = arith.constant 0 : i32
    %c0_i32_0 = arith.constant 0 : i32
    return %arg1, %c0_i32 : i32, i32
  }
  func.func @transform_6(%arg0: i32, %arg1: i32) -> i32 {
    %c0_i32 = arith.constant 0 : i32
    return %arg1 : i32
  }
  func.func @transform_7(%arg0: i32, %arg1: i32) -> (i32, i32) {
    %c0_i32 = arith.constant 0 : i32
    %c0_i32_0 = arith.constant 0 : i32
    return %arg1, %c0_i32 : i32, i32
  }
  func.func @transform_8(%arg0: i32, %arg1: i32) -> (i32, i32) {
    %c0_i32 = arith.constant 0 : i32
    return %arg0, %arg1 : i32, i32
  }
}

</mosaic_0001>

<sc_bundles>
// kernel: kernel.11.cloned.1.call-start
scs
__scs_entry_jumppad:
0x0: {  	(pc) =	sbr.rel $0x88, $3  }
0x1: {  	(tag) =	ssettag $0x0;
	lr =	simm.s32 $0x1  }
0x2: {  	[smem:$0x3F9B] =	sst lr;
	_ =	strace $0xD0000000  }
0x3: {  	_ = 	snop  }
0x4: {  	_ = 	snop  }
0x5: {  	_ = 	snop  }
0x6: {  	_ = 	snop  }
0x7: {  	_ = 	snop  }
__scs_overlays_trampoline_lowered:
0x8: {  	[smem:$0x3FAA] =	sst s0  }
0x9: {  	[smem:$0x3FAB] =	sst s1  }
0xa: {  	[smem:$0x3FAC] =	sst s2  }
0xb: {  	[smem:$0x3FAD] =	sst s3  }
0xc: {  	[smem:$0x3FAE] =	sst s4  }
0xd: {  	[smem:$0x3FAF] =	sst s5  }
0xe: {  	[smem:$0x3FB0] =	sst s6  }
0xf: {  	[smem:$0x3FB1] =	sst s7  }
0x10: {  	[smem:$0x3FB2] =	sst s8  }
0x11: {  	[smem:$0x3FB3] =	sst s9;
	s0 =	simm.s32 @!p0 $0x0  }
0x12: {  	s1 =	sld [smem:$0x3F99];
	s0 =	simm.s32 @p0 $0x1  }
0x13: {  	[smem:$0x3FB4] =	sst s0;
	s0 =	simm.s32 @!p1 $0x0  }
0x14: {  	s2 =	sld [smem:$0x3F98];
	s0 =	simm.s32 @p1 $0x1  }
0x15: {  	[smem:$0x3FB5] =	sst s0;
	s0 =	simm.s32 @!p2 $0x0  }
0x16: {  	s3 =	sld [smem:$0x3FDB];
	s0 =	simm.s32 @p2 $0x1  }
0x17: {  	s4 =	simm.s32 $0x1BF5;
	[smem:$0x3FB7] =	sst s0  }
0x18: {  	s0 =	sld [smem:$0x3F9A];
	_ =	swait.ge [sflag:s4], $0x0  }
0x19: {  	s7 =	sld [smem:$0x3F9B]  }
0x1a: {  	s8 =	sadd.s32 $0xFFFFE003, lr  }
0x1b: {  	s9 =	sadd.s32 $0xFFFFFEF7, lr;
	s5 =	simm.s32 $0xFFFFFFFF;
	p2 =	slt.u32 s8, $0xFFFFF086  }
0x1c: {  	p1 =	slt.u32 s9, $0xF7A;
	s5 =	simm.s32 @!p2 $0x0  }
0x1d: {  	s5 =	simm.s32 @p1 $0x1;
	p0 =	seq.s32 s7, s2  }
0x1e: {  	s7 =	smul.u32 @!p0 $0xF7A, s2;
	p2 =	seq.s32 @!p0 s5, $0x0  }
0x1f: {  	s9 =	smul.u32 $0xF7A, s1;
	s8 =	simm.s32 @!p0 $0x1BF5;
	p2 =	por !p2, p0  }
0x20: {  	[sflag:s8] =	ssyncset.s32 @!p0 $0xFFFFF086;
	s6 =	sadd.s32 @!p0 s3, s7;
	s7 =	simm.s32 @!p0 $0x108  }
0x21: {  	s3 =	sadd.s32 s3, s9;
	s6 =	sadd.s32 @!p0 $0x88, s6;
	s7 =	simm.s32 @p2 $0x1082  }
0x22: {  	[simem:s7], [sflag:s8] =	dma.local @!p0 [hbm:s6], $0xF7A  }
0x23: {  	s9 =	sor.u32 $0xD0000000, s2;
	s6 =	simm.s32 $0x108;
	_ =	swait.ge @!p0 [sflag:s8], $0x0  }
0x24: {  	s3 =	sadd.s32 $0x88, s3;
	s6 =	simm.s32 @!p1 $0x1082;
	[sflag:s4] =	ssyncset.s32 $0xFFFFF086  }
0x25: {  	[simem:s6], [sflag:s4] =	dma.local [hbm:s3], $0xF7A  }
0x26: {  	[smem:$0x3F9B] =	sst s1;
	(tag) =	ssettag s2;
	_ =	strace s9  }
0x27: {  	s1 =	sld [smem:$0x3FAB]  }
0x28: {  	s2 =	sld [smem:$0x3FAC]  }
0x29: {  	s4 =	sld [smem:$0x3FAE]  }
0x2a: {  	p0 =	seq.s32 s5, $0x0;
	s5 =	sld [smem:$0x3FAF]  }
0x2b: {  	s6 =	sld [smem:$0x3FB0]  }
0x2c: {  	s7 =	sld [smem:$0x3FB1]  }
0x2d: {  	s3 =	simm.s32 $0x108;
	s8 =	sld [smem:$0x3FB2]  }
0x2e: {  	s3 =	simm.s32 @!p0 $0x1082;
	s9 =	sld [smem:$0x3FB3]  }
0x2f: {  	lr =	sadd.s32 s0, s3;
	s0 =	sld [smem:$0x3FAA]  }
0x30: {  	s3 =	sld [smem:$0x3FAD]  }
0x31: {  	[smem:$0x3FB6] =	sst s10  }
0x32: {  	s10 =	sld [smem:$0x3FB4];
	_ =	sdelay $0x3  }
0x33: {  	p0 =	seq.s32 s10, $0x1;
	s10 =	sld [smem:$0x3FB6];
	_ =	sdelay $0x3  }
0x34: {  	[smem:$0x3FB6] =	sst s10  }
0x35: {  	s10 =	sld [smem:$0x3FB5];
	_ =	sdelay $0x3  }
0x36: {  	p1 =	seq.s32 s10, $0x1;
	s10 =	sld [smem:$0x3FB6];
	_ =	sdelay $0x3  }
0x37: {  	[smem:$0x3FB6] =	sst s10  }
0x38: {  	s10 =	sld [smem:$0x3FB7]  }
0x39: {  	_ = 	snop;
	(pc) =	sbr.ind lr, $3  }
0x3a: {  	_ = 	snop  }
0x3b: {  	_ = 	snop  }
0x3c: {  	p2 =	seq.s32 s10, $0x1;
	s10 =	sld [smem:$0x3FB6]  }
0x3d: {  	_ =	shalt  }
0x3e: {  	_ =	shalt  }
0x3f: {  	_ =	shalt  }
0x40: {  	_ =	shalt  }
0x41: {  	_ =	shalt  }
0x42: {  	_ =	shalt  }
0x43: {  	_ =	shalt  }
0x44: {  	_ =	shalt  }
0x45: {  	_ =	shalt  }
0x46: {  	_ =	shalt  }
0x47: {  	_ =	shalt  }
0x48: {  	_ =	shalt  }
0x49: {  	_ =	shalt  }
0x4a: {  	_ =	shalt  }
0x4b: {  	_ =	shalt  }
0x4c: {  	_ =	shalt  }
0x4d: {  	_ =	shalt  }
0x4e: {  	_ =	shalt  }
0x4f: {  	_ =	shalt  }
0x50: {  	_ =	shalt  }
0x51: {  	_ =	shalt  }
0x52: {  	_ =	shalt  }
0x53: {  	_ =	shalt  }
0x54: {  	_ =	shalt  }
0x55: {  	_ =	shalt  }
0x56: {  	_ =	shalt  }
0x57: {  	_ =	shalt  }
0x58: {  	_ =	shalt  }
0x59: {  	_ =	shalt  }
0x5a: {  	_ =	shalt  }
0x5b: {  	_ =	shalt  }
0x5c: {  	_ =	shalt  }
0x5d: {  	_ =	shalt  }
0x5e: {  	_ =	shalt  }
0x5f: {  	_ =	shalt  }
0x60: {  	_ =	shalt  }
0x61: {  	_ =	shalt  }
0x62: {  	_ =	shalt  }
0x63: {  	_ =	shalt  }
0x64: {  	_ =	shalt  }
0x65: {  	_ =	shalt  }
0x66: {  	_ =	shalt  }
0x67: {  	_ =	shalt  }
0x68: {  	_ =	shalt  }
0x69: {  	_ =	shalt  }
0x6a: {  	_ =	shalt  }
0x6b: {  	_ =	shalt  }
0x6c: {  	_ =	shalt  }
0x6d: {  	_ =	shalt  }
0x6e: {  	_ =	shalt  }
0x6f: {  	_ =	shalt  }
0x70: {  	_ =	shalt  }
0x71: {  	_ =	shalt  }
0x72: {  	_ =	shalt  }
0x73: {  	_ =	shalt  }
0x74: {  	_ =	shalt  }
0x75: {  	_ =	shalt  }
0x76: {  	_ =	shalt  }
0x77: {  	_ =	shalt  }
0x78: {  	_ =	shalt  }
0x79: {  	_ =	shalt  }
0x7a: {  	_ =	shalt  }
0x7b: {  	_ =	shalt  }
0x7c: {  	_ =	shalt  }
0x7d: {  	_ =	shalt  }
0x7e: {  	_ =	shalt  }
0x7f: {  	_ =	shalt  }
0x80: {  	_ =	shalt  }
0x81: {  	_ =	shalt  }
0x82: {  	_ =	shalt  }
0x83: {  	_ =	shalt  }
0x84: {  	_ =	shalt  }
0x85: {  	_ =	shalt  }
0x86: {  	_ =	shalt  }
0x87: {  	_ =	shalt  }
.Lfunc_end0:
.L_simem_size_0:
called_computation.1_lowered:
.L_overlay_start_0:
0x88: {  	s2 =	sld [smem:$0x3FD9]  }
0x89: {  	s3 =	sld [smem:$0x3FFE];
	_ =	sdelay $0x1  }
0x8a: {  	s1 =	srdreg.scid  }
0x8b: {  	s0 =	sand.u32 $0x1, s1  }
0x8c: {  	s17 =	sshll.u32 s0, $0xA;
	s2 =	sadd.s32 s3, s2  }
0x8d: {  	s2 =	sadd.s32 s2, s17  }
0x8e: {  	[smem:$0x3FC2] =	sst s2  }
0x8f: {  	_ = 	snop  }
0x90: {  	s2 =	sld [smem:$0x3FD0];
	(tm) =	ssettm $0x1  }
0x91: {  	s18 =	sld [smem:$0x3FFB];
	_ =	sdelay $0x3  }
0x92: {  	_ =	strace s18  }
0x93: {  	s3 =	sld [smem:$0x3FFC];
	_ =	sdelay $0x3  }
0x94: {  	_ =	strace s3  }
0x95: {  	s3 =	sld [smem:$0x3FFD];
	_ =	sdelay $0x3  }
0x96: {  	_ =	strace s3  }
0x97: {  	_ =	strace $0x8FFFFFFF  }
0x98: {  	s19 =	sld [smem:$0x3FDB];
	_ =	sdelay $0x1  }
0x99: {  	s4 =	simm.s32 $_scs_section_size  }
0x9a: {  	s5 =	simm.s32 $_size__tile_overlayer_lowered;
	s6 =	simm.s32 $_tile_overlayer_lowered  }
0x9b: {  	s22 =	simm.s32 $0x1BFF;
	s21 =	sshll.u32 s6, $0x1;
	s3 =	sadd.s32 s4, s19  }
0x9c: {  	s7 =	simm.s32 $0x0;
	s20 =	sshll.u32 s5, $0x1;
	s5 =	sadd.s32 s21, s3  }
0x9d: {  	[timem:s7], [sflag:s22] =	dma.local [hbm:s5], s20  }
0x9e: {  	_ =	swait.ge [sflag:s22], s20  }
0x9f: {  	s4 =	ssub.s32 $0x0, s20;
	[sflag:s22] =	ssyncset.done $0x0  }
0xa0: {  	[sflag:s22] =	ssyncadd.s32 s4;
	_ =	sdelay $0x1  }
0xa1: {  	s23 =	simm.s32 $0x1B8B  }
0xa2: {  	_ =	swait.ge [sflag:s23], $0x1  }
0xa3: {  	[sflag:s23] =	ssyncset.done $0x0  }
0xa4: {  	s25 =	simm.s32 $0x1B8E;
	s24 =	sld [smem:$0x3FFE];
	[sflag:s23] =	ssyncadd.s32 $0xFFFFFFFF  }
0xa5: {  	s26 =	simm.s32 $execute0_lowered;
	[smem:$0x3FD2] =	sst s25  }
0xa6: {  	s5 =	sshll.u32 s26, $0x1;
	_ =	strace $0x80000049;
	[dreg:$0x1] =	wrdreg $0xFFFFFFFF  }
0xa7: {  	s28 =	simm.s32 $_size_execute0_lowered;
	s3 =	sadd.s32 s3, s5;
	[dreg:$0x0] =	wrdreg $0x0  }
0xa8: {  	s5 =	sshll.u32 s28, $0x1;
	[dreg:$0x2] =	wrdreg s3  }
0xa9: {  	[dreg:$0x3] =	wrdreg s5  }
0xaa: {  	[dreg:$0x4] =	wrdreg $0xC0  }
0xab: {  	_ =	task [dreg:s7], $0x5FFFF  }
0xac: {  	[dreg:$0x1] =	wrdreg $0xFFFFFFFF  }
0xad: {  	[dreg:$0x0] =	wrdreg $0x60  }
0xae: {  	[dreg:$0x2] =	wrdreg s2  }
0xaf: {  	[dreg:$0x3] =	wrdreg s24  }
0xb0: {  	[dreg:$0x4] =	wrdreg $0x0  }
0xb1: {  	[dreg:$0x5] =	wrdreg $0x9  }
0xb2: {  	_ =	task.clear_ibuf [dreg:s7], $0x6FFFF;
	_ =	strace $0x90000049  }
0xb3: {  	s29 =	simm.s32 $0x9;
	_ =	strace $0x8000004B  }
0xb4: {  	_ =	swait.ge [sflag:s29], $0x1  }
0xb5: {  	[sflag:s29] =	ssyncadd.s32 $0xFFFFFFFF  }
0xb6: {  	_ =	strace $0x9000004B  }
0xb7: {  	_ =	sfence  }
0xb8: {  	s30 =	sld [smem:$0x0];
	_ =	sdelay $0x2  }
0xb9: {  	s31 =	sshll.u32 s1, $0xD;
	s1 =	sshrl.u32 s1, $0x2  }
0xba: {  	s3 =	sand.u32 $0x4000, s31;
	s1 =	sadd.s32 s1, s30  }
0xbb: {  	s0 =	sor.u32 s3, s0;
	s1 =	sshll.u32 s1, $0x11  }
0xbc: {  	s0 =	sor.u32 s1, s0  }
0xbd: {  	s0 =	sadd.s32 $0x8F2B, s0  }
0xbe: {  	[sflag:s0] =	ssyncadd.remote.s32 $0x1  }
0xbf: {  	_ =	sfence.sel $0xFFFF  }
0xc0: {  	[dreg:$0x0] =	wrdreg $0xFFFFFFFF;
	(pc) =	sbr.abs _section_cstart, $3  }
0xc1: {  	[dreg:$0x1] =	wrdreg $0xFFFFFFFF  }
0xc2: {  	_ =	task.clear_ibuf [dreg:s7], $0x2FFFF;
	_ =	strace $0x9FFFFFFF  }
0xc3: {  	(tm) =	ssettm $0x7FFFFFFF  }
tec
execute0_lowered:
.L_overlay_start_1:
0x0: {  	(tag) =	ssettag $0x1  }
0x1: {  	s1 =	rddreg [dreg:$0x0]  }
0x2: {  	s0 =	rddreg [dreg:$0x1]  }
0x3: {  	s3 =	rddreg [dreg:$0x2]  }
0x4: {  	s4 =	simm.s32 $0x0;
	s10 =	stileid.u32;
	s5 =	srdreg.scid  }
0x5: {  	s15 =	simm.s32 $0x2;
	s16 =	simm.s32 $0x14000;
	s17 =	simm.s32 $0x14400  }
0x6: {  	s18 =	simm.s32 $0x80;
	s19 =	simm.s32 $0x14800;
	s20 =	simm.s32 $0x14080  }
0x7: {  	s21 =	simm.s32 $0x18800;
	s22 =	simm.s32 $0x1;
	s23 =	simm.s32 $0x14100  }
0x8: {  	s28 =	simm.s32 $0x14200;
	s29 =	simm.s32 $0x14580;
	s30 =	simm.s32 $0x14280  }
0x9: {  	s31 =	simm.s32 $0x14600;
	s14 =	simm.s32 $0x0;
	s2 =	smul.u32 $0x500, s10  }
0xa: {  	[smem:$0x7FF] =	sst s4;
	s7 =	smul.u32 $0x2800, s10;
	s6 =	sadd.s32 $0xC800, s0  }
0xb: {  	s5 =	sand.u32 $0x1, s5;
	s9 =	smul.u32 $0x50000, s10;
	s11 =	sadd.s32 $0x5C800, s0  }
0xc: {  	s26 =	sshll.u32 s10, $0x6;
	_ =	strace $0x8000004A;
	s8 =	ssub.s32 $0x2, s5  }
0xd: {  	[dreg:$0x5] =	wrdreg s11;
	s10 =	sor.u32 $0x1C02, s26;
	p0 =	sne.s32 s5, $0x0  }
0xe: {  	s26 =	simm.s32 $0x14500;
	s2 =	sadd.s32 s2, s0;
	[dreg:$0x4] =	wrdreg s7  }
0xf: {  	s7 =	sadd.s32 s7, s0;
	s0 =	sadd.s32 $0x84800, s0;
	s24 =	sshrl.u32 s8, $0x1  }
0x10: {  	s25 =	sshrl.u32 s9, $0x2;
	s9 =	simm.s32 $0x14780;
	[dreg:$0x8] =	wrdreg s10  }
0x11: {  	[dreg:$0x6] =	wrdreg s0;
	s0 =	ssub.s32 s8, s24;
	s8 =	sadd.s32 s25, s3  }
.Ltmp0:
0x12: {  	s7 =	sadd.s32 $0x34800, s7;
	s12 =	sadd.s32 $0x2800, s2;
	(pc) =	sbr.rel .LBB2_1-.Ltmp0, $4  }
0x13: {  	s13 =	sadd.s32 $0x7800, s2;
	s24 =	simm.s32 $0x14480;
	s25 =	simm.s32 $0x14180  }
0x14: {  	s2 =	simm.s32 $0x14680;
	[dreg:$0x7] =	wrdreg s7;
	s0 =	smax.u32 s0, $0x1  }
0x15: {  	s11 =	sshrl.u32 s8, $0x3;
	s7 =	simm.s32 $0x14380;
	[dreg:$0x9] =	wrdreg s0  }
0x16: {  	s8 =	simm.s32 $0x14700;
	s0 =	simm.s32 $0x14300;
	[dreg:$0xa] =	wrdreg s11  }
.LBB2_7:
0x17: {  	s10 =	sadd.s32 s5, s13;
	[sflag:s15] =	ssyncadd.s32 $0xFFFFC000  }
0x18: {  	[tilespmem:s16], [sflag:$0x2] =	stream.linear.gather [hbm4b:s10+s4], $0x400, $0x38;
	[tilespmem:$0x1C800] =	vst v63  }
0x19: {  	_ =	swait.ge [sflag:s15], $0x400  }
0x1a: {  	[sflag:s15] =	ssyncset.done $0x0  }
0x1b: {  	s14 =	sadd.s32 s5, s12;
	[sflag:s15] =	ssyncadd.s32 $0xFFFFFC00  }
0x1c: {  	[tilespmem:s17], [sflag:$0x2] =	stream.linear.gather [hbm4b:s14+s4], $0x400, $0x38;
	[tilespmem:$0x1C800] =	vst v63  }
0x1d: {  	_ =	swait.ge [sflag:s15], $0x400  }
0x1e: {  	[sflag:s15] =	ssyncset.done $0x0  }
0x1f: {  	[sflag:s15] =	ssyncadd.s32 $0xFFFFFC00  }
0x20: {  	[tilespmem:s19], [sflag:$0x1] =	stream.indirect.gather [hbm4b:s6+s18], $0x80, s16, s18, $0xb8;
	[tilespmem:$0x1C800] =	vst v63  }
0x21: {  	_ = 	snop  }
0x22: {  	[tilespmem:s21], [sflag:$0x1] =	stream.indirect.gather [hbm4b:s6+s18], $0x80, s20, s18, $0xb8;
	[tilespmem:$0x1C800] =	vst v63  }
0x23: {  	_ =	swait.ge [sflag:s22], $0x4000  }
0x24: {  	[sflag:s22] =	ssyncset.done $0x0  }
0x25: {  	[sflag:s22] =	ssyncadd.s32 $0xFFFFC000  }
0x26: {  	[spmem:s3] =	stream.indirect.scatter.add.f32 [tilespmem:s19], [sflag:$0x2], $0x80, s17, s18, $0xb8;
	[tilespmem:$0x1C800] =	vst v63  }
0x27: {  	_ =	swait.ge [sflag:s15], $0x4000  }
0x28: {  	[sflag:s15] =	ssyncset.done $0x0  }
0x29: {  	[sflag:s15] =	ssyncadd.s32 $0xFFFFC000  }
0x2a: {  	[tilespmem:s19], [sflag:$0x1] =	stream.indirect.gather [hbm4b:s6+s18], $0x80, s23, s18, $0xb8;
	[tilespmem:$0x1C800] =	vst v63  }
0x2b: {  	_ =	swait.ge [sflag:s22], $0x4000  }
0x2c: {  	[sflag:s22] =	ssyncset.done $0x0  }
0x2d: {  	[sflag:s22] =	ssyncadd.s32 $0xFFFFC000  }
0x2e: {  	[spmem:s3] =	stream.indirect.scatter.add.f32 [tilespmem:s21], [sflag:$0x2], $0x80, s24, s18, $0xb8;
	[tilespmem:$0x1C800] =	vst v63  }
0x2f: {  	_ =	swait.ge [sflag:s15], $0x4000  }
0x30: {  	[sflag:s15] =	ssyncset.done $0x0  }
0x31: {  	[sflag:s15] =	ssyncadd.s32 $0xFFFFC000  }
0x32: {  	[tilespmem:s21], [sflag:$0x1] =	stream.indirect.gather [hbm4b:s6+s18], $0x80, s25, s18, $0xb8;
	[tilespmem:$0x1C800] =	vst v63  }
0x33: {  	_ =	swait.ge [sflag:s22], $0x4000  }
0x34: {  	[sflag:s22] =	ssyncset.done $0x0  }
0x35: {  	[sflag:s22] =	ssyncadd.s32 $0xFFFFC000  }
0x36: {  	[spmem:s3] =	stream.indirect.scatter.add.f32 [tilespmem:s19], [sflag:$0x2], $0x80, s26, s18, $0xb8;
	[tilespmem:$0x1C800] =	vst v63  }
0x37: {  	_ =	swait.ge [sflag:s15], $0x4000  }
0x38: {  	[sflag:s15] =	ssyncset.done $0x0  }
0x39: {  	[sflag:s15] =	ssyncadd.s32 $0xFFFFC000  }
0x3a: {  	[tilespmem:s19], [sflag:$0x1] =	stream.indirect.gather [hbm4b:s6+s18], $0x80, s28, s18, $0xb8;
	[tilespmem:$0x1C800] =	vst v63  }
0x3b: {  	_ =	swait.ge [sflag:s22], $0x4000  }
0x3c: {  	[sflag:s22] =	ssyncset.done $0x0  }
0x3d: {  	[sflag:s22] =	ssyncadd.s32 $0xFFFFC000  }
0x3e: {  	[spmem:s3] =	stream.indirect.scatter.add.f32 [tilespmem:s21], [sflag:$0x2], $0x80, s29, s18, $0xb8;
	[tilespmem:$0x1C800] =	vst v63  }
0x3f: {  	_ =	swait.ge [sflag:s15], $0x4000  }
0x40: {  	[sflag:s15] =	ssyncset.done $0x0  }
0x41: {  	[sflag:s15] =	ssyncadd.s32 $0xFFFFC000  }
0x42: {  	[tilespmem:s21], [sflag:$0x1] =	stream.indirect.gather [hbm4b:s6+s18], $0x80, s30, s18, $0xb8;
	[tilespmem:$0x1C800] =	vst v63  }
0x43: {  	_ =	swait.ge [sflag:s22], $0x4000  }
0x44: {  	[sflag:s22] =	ssyncset.done $0x0  }
0x45: {  	[sflag:s22] =	ssyncadd.s32 $0xFFFFC000  }
0x46: {  	[spmem:s3] =	stream.indirect.scatter.add.f32 [tilespmem:s19], [sflag:$0x2], $0x80, s31, s18, $0xb8;
	[tilespmem:$0x1C800] =	vst v63  }
0x47: {  	_ =	swait.ge [sflag:s15], $0x4000  }
0x48: {  	[sflag:s15] =	ssyncset.done $0x0  }
0x49: {  	[sflag:s15] =	ssyncadd.s32 $0xFFFFC000  }
0x4a: {  	[tilespmem:s19], [sflag:$0x1] =	stream.indirect.gather [hbm4b:s6+s18], $0x80, s0, s18, $0xb8;
	[tilespmem:$0x1C800] =	vst v63  }
0x4b: {  	_ =	swait.ge [sflag:s22], $0x4000  }
0x4c: {  	[sflag:s22] =	ssyncset.done $0x0  }
0x4d: {  	[sflag:s22] =	ssyncadd.s32 $0xFFFFC000  }
0x4e: {  	[spmem:s3] =	stream.indirect.scatter.add.f32 [tilespmem:s21], [sflag:$0x2], $0x80, s2, s18, $0xb8;
	[tilespmem:$0x1C800] =	vst v63  }
0x4f: {  	_ =	swait.ge [sflag:s15], $0x4000  }
0x50: {  	[sflag:s15] =	ssyncset.done $0x0  }
0x51: {  	[sflag:s15] =	ssyncadd.s32 $0xFFFFC000  }
0x52: {  	[tilespmem:s21], [sflag:$0x1] =	stream.indirect.gather [hbm4b:s6+s18], $0x80, s7, s18, $0xb8;
	[tilespmem:$0x1C800] =	vst v63  }
0x53: {  	_ =	swait.ge [sflag:s22], $0x4000  }
0x54: {  	[sflag:s22] =	ssyncset.done $0x0  }
0x55: {  	[sflag:s22] =	ssyncadd.s32 $0xFFFFC000  }
0x56: {  	[spmem:s3] =	stream.indirect.scatter.add.f32 [tilespmem:s19], [sflag:$0x2], $0x80, s8, s18, $0xb8;
	[tilespmem:$0x1C800] =	vst v63  }
0x57: {  	_ =	swait.ge [sflag:s15], $0x4000  }
0x58: {  	[sflag:s15] =	ssyncset.done $0x0  }
0x59: {  	[sflag:s15] =	ssyncadd.s32 $0xFFFFC000  }
0x5a: {  	_ =	swait.ge [sflag:s22], $0x4000  }
0x5b: {  	[sflag:s22] =	ssyncset.done $0x0  }
0x5c: {  	[sflag:s22] =	ssyncadd.s32 $0xFFFFC000  }
0x5d: {  	[spmem:s3] =	stream.indirect.scatter.add.f32 [tilespmem:s21], [sflag:$0x2], $0x80, s9, s18, $0xb8;
	[tilespmem:$0x1C800] =	vst v63  }
0x5e: {  	_ =	swait.ge [sflag:s15], $0x4000  }
0x5f: {  	[sflag:s15] =	ssyncset.done $0x0;
	s5 =	rddreg [dreg:$0x6]  }
0x60: {  	s14 =	rddreg [dreg:$0xb];
	[sflag:s15] =	ssyncadd.s32 $0xFFFFC000  }
.LBB2_8:
0x61: {  	s10 =	rddreg [dreg:$0x4];
	[bflag:$0x0] =	sbarrier.arrive $0xFFFF  }
0x62: {  	s5 =	sadd.s32 s5, s10;
	s10 =	rddreg [dreg:$0x8]  }
0x63: {  	s11 =	rddreg [dreg:$0xa]  }
0x64: {  	[hbm:s5], [sflag:s10] =	dma.local [spmem:s11], $0x2800  }
0x65: {  	_ =	swait.ge [sflag:s15], $0x2800  }
0x66: {  	s14 =	sadd.s32 $0x1, s14;
	s5 =	rddreg [dreg:$0x9]  }
0x67: {  	p1 =	sne.s32 s14, s5  }
.Ltmp1:
0x68: {  	_ = 	snop;
	(pc) =	sbr.rel @!p1 .LBB2_9-.Ltmp1, $3  }
0x69: {  	_ =	sdelay $0x1  }
0x6a: {  	[sflag:s15] =	ssyncset.done $0x0  }
0x6b: {  	[sflag:s15] =	ssyncadd.s32 $0xFFFFD800  }
.LBB2_1:
0x6c: {  	[dreg:$0xb] =	wrdreg s14  }
0x6d: {  	s5 =	rddreg [dreg:$0x7]  }
0x6e: {  	[spmem:s11], [sflag:s10] =	dma.local [hbm:s5], $0x2800  }
.Ltmp2:
0x6f: {  	_ =	swait.ge [sflag:s15], $0x2800;
	(pc) =	sbr.rel @p0 .LBB2_5-.Ltmp2, $4  }
0x70: {  	[sflag:s15] =	ssyncset.done $0x0  }
0x71: {  	[sflag:s15] =	ssyncadd.s32 $0xFFFFD800  }
0x72: {  	[bflag:$0x0] =	sbarrier.arrive $0xFFFF  }
0x73: {  	s5 =	sadd.s32 $0x0, s13  }
0x74: {  	[tilespmem:s16], [sflag:$0x2] =	stream.linear.gather [hbm4b:s5+s4], $0x400, $0x38;
	[tilespmem:$0x1C800] =	vst v63  }
0x75: {  	_ =	swait.ge [sflag:s15], $0x400  }
0x76: {  	[sflag:s15] =	ssyncset.done $0x0  }
0x77: {  	s14 =	sadd.s32 $0x0, s12;
	[sflag:s15] =	ssyncadd.s32 $0xFFFFFC00  }
0x78: {  	[tilespmem:s17], [sflag:$0x2] =	stream.linear.gather [hbm4b:s14+s4], $0x400, $0x38;
	[tilespmem:$0x1C800] =	vst v63  }
0x79: {  	_ =	swait.ge [sflag:s15], $0x400  }
0x7a: {  	[sflag:s15] =	ssyncset.done $0x0  }
0x7b: {  	[sflag:s15] =	ssyncadd.s32 $0xFFFFFC00  }
0x7c: {  	[tilespmem:s19], [sflag:$0x1] =	stream.indirect.gather [hbm4b:s1+s18], $0x80, s16, s18, $0xb8;
	[tilespmem:$0x1C800] =	vst v63  }
0x7d: {  	_ = 	snop  }
0x7e: {  	[tilespmem:s21], [sflag:$0x1] =	stream.indirect.gather [hbm4b:s1+s18], $0x80, s20, s18, $0xb8;
	[tilespmem:$0x1C800] =	vst v63  }
0x7f: {  	_ =	swait.ge [sflag:s22], $0x4000  }
0x80: {  	[sflag:s22] =	ssyncset.done $0x0  }
0x81: {  	[sflag:s22] =	ssyncadd.s32 $0xFFFFC000  }
0x82: {  	[spmem:s3] =	stream.indirect.scatter.add.f32 [tilespmem:s19], [sflag:$0x2], $0x80, s17, s18, $0xb8;
	[tilespmem:$0x1C800] =	vst v63  }
0x83: {  	_ =	swait.ge [sflag:s15], $0x4000  }
0x84: {  	[sflag:s15] =	ssyncset.done $0x0  }
0x85: {  	[sflag:s15] =	ssyncadd.s32 $0xFFFFC000  }
0x86: {  	[tilespmem:s19], [sflag:$0x1] =	stream.indirect.gather [hbm4b:s1+s18], $0x80, s23, s18, $0xb8;
	[tilespmem:$0x1C800] =	vst v63  }
0x87: {  	_ =	swait.ge [sflag:s22], $0x4000  }
0x88: {  	[sflag:s22] =	ssyncset.done $0x0  }
0x89: {  	[sflag:s22] =	ssyncadd.s32 $0xFFFFC000  }
0x8a: {  	[spmem:s3] =	stream.indirect.scatter.add.f32 [tilespmem:s21], [sflag:$0x2], $0x80, s24, s18, $0xb8;
	[tilespmem:$0x1C800] =	vst v63  }
0x8b: {  	_ =	swait.ge [sflag:s15], $0x4000  }
0x8c: {  	[sflag:s15] =	ssyncset.done $0x0  }
0x8d: {  	[sflag:s15] =	ssyncadd.s32 $0xFFFFC000  }
0x8e: {  	[tilespmem:s21], [sflag:$0x1] =	stream.indirect.gather [hbm4b:s1+s18], $0x80, s25, s18, $0xb8;
	[tilespmem:$0x1C800] =	vst v63  }
0x8f: {  	_ =	swait.ge [sflag:s22], $0x4000  }
0x90: {  	[sflag:s22] =	ssyncset.done $0x0  }
0x91: {  	[sflag:s22] =	ssyncadd.s32 $0xFFFFC000  }
0x92: {  	[spmem:s3] =	stream.indirect.scatter.add.f32 [tilespmem:s19], [sflag:$0x2], $0x80, s26, s18, $0xb8;
	[tilespmem:$0x1C800] =	vst v63  }
0x93: {  	_ =	swait.ge [sflag:s15], $0x4000  }
0x94: {  	[sflag:s15] =	ssyncset.done $0x0  }
0x95: {  	[sflag:s15] =	ssyncadd.s32 $0xFFFFC000  }
0x96: {  	[tilespmem:s19], [sflag:$0x1] =	stream.indirect.gather [hbm4b:s1+s18], $0x80, s28, s18, $0xb8;
	[tilespmem:$0x1C800] =	vst v63  }
0x97: {  	_ =	swait.ge [sflag:s22], $0x4000  }
0x98: {  	[sflag:s22] =	ssyncset.done $0x0  }
0x99: {  	[sflag:s22] =	ssyncadd.s32 $0xFFFFC000  }
0x9a: {  	[spmem:s3] =	stream.indirect.scatter.add.f32 [tilespmem:s21], [sflag:$0x2], $0x80, s29, s18, $0xb8;
	[tilespmem:$0x1C800] =	vst v63  }
0x9b: {  	_ =	swait.ge [sflag:s15], $0x4000  }
0x9c: {  	[sflag:s15] =	ssyncset.done $0x0  }
0x9d: {  	[sflag:s15] =	ssyncadd.s32 $0xFFFFC000  }
0x9e: {  	[tilespmem:s21], [sflag:$0x1] =	stream.indirect.gather [hbm4b:s1+s18], $0x80, s30, s18, $0xb8;
	[tilespmem:$0x1C800] =	vst v63  }
0x9f: {  	_ =	swait.ge [sflag:s22], $0x4000  }
0xa0: {  	[sflag:s22] =	ssyncset.done $0x0  }
0xa1: {  	[sflag:s22] =	ssyncadd.s32 $0xFFFFC000  }
0xa2: {  	[spmem:s3] =	stream.indirect.scatter.add.f32 [tilespmem:s19], [sflag:$0x2], $0x80, s31, s18, $0xb8;
	[tilespmem:$0x1C800] =	vst v63  }
0xa3: {  	_ =	swait.ge [sflag:s15], $0x4000  }
0xa4: {  	[sflag:s15] =	ssyncset.done $0x0  }
0xa5: {  	[sflag:s15] =	ssyncadd.s32 $0xFFFFC000  }
0xa6: {  	[tilespmem:s19], [sflag:$0x1] =	stream.indirect.gather [hbm4b:s1+s18], $0x80, s0, s18, $0xb8;
	[tilespmem:$0x1C800] =	vst v63  }
0xa7: {  	_ =	swait.ge [sflag:s22], $0x4000  }
0xa8: {  	[sflag:s22] =	ssyncset.done $0x0  }
0xa9: {  	[sflag:s22] =	ssyncadd.s32 $0xFFFFC000  }
0xaa: {  	[spmem:s3] =	stream.indirect.scatter.add.f32 [tilespmem:s21], [sflag:$0x2], $0x80, s2, s18, $0xb8;
	[tilespmem:$0x1C800] =	vst v63  }
0xab: {  	_ =	swait.ge [sflag:s15], $0x4000  }
0xac: {  	[sflag:s15] =	ssyncset.done $0x0  }
0xad: {  	[sflag:s15] =	ssyncadd.s32 $0xFFFFC000  }
0xae: {  	[tilespmem:s21], [sflag:$0x1] =	stream.indirect.gather [hbm4b:s1+s18], $0x80, s7, s18, $0xb8;
	[tilespmem:$0x1C800] =	vst v63  }
0xaf: {  	_ =	swait.ge [sflag:s22], $0x4000  }
0xb0: {  	[sflag:s22] =	ssyncset.done $0x0  }
0xb1: {  	[sflag:s22] =	ssyncadd.s32 $0xFFFFC000  }
0xb2: {  	[spmem:s3] =	stream.indirect.scatter.add.f32 [tilespmem:s19], [sflag:$0x2], $0x80, s8, s18, $0xb8;
	[tilespmem:$0x1C800] =	vst v63  }
0xb3: {  	_ =	swait.ge [sflag:s15], $0x4000  }
0xb4: {  	[sflag:s15] =	ssyncset.done $0x0  }
0xb5: {  	[sflag:s15] =	ssyncadd.s32 $0xFFFFC000  }
0xb6: {  	_ =	swait.ge [sflag:s22], $0x4000  }
0xb7: {  	[sflag:s22] =	ssyncset.done $0x0  }
0xb8: {  	[sflag:s22] =	ssyncadd.s32 $0xFFFFC000  }
0xb9: {  	[spmem:s3] =	stream.indirect.scatter.add.f32 [tilespmem:s21], [sflag:$0x2], $0x80, s9, s18, $0xb8;
	[tilespmem:$0x1C800] =	vst v63  }
0xba: {  	_ =	swait.ge [sflag:s15], $0x4000  }
0xbb: {  	s5 =	simm.s32 $0x80;
	s10 =	simm.s32 $0x100;
	[sflag:s15] =	ssyncset.done $0x0  }
.LBB2_3:
0xbc: {  	s11 =	sadd.s32 s5, s13  }
0xbd: {  	[sflag:s15] =	ssyncadd.s32 $0xFFFFC000;
	s20 =	smov.u32 s10;
	s14 =	sadd.s32 $0x80, s10  }
0xbe: {  	[tilespmem:s16], [sflag:$0x2] =	stream.linear.gather [hbm4b:s11+s4], $0x400, $0x38;
	[tilespmem:$0x1C800] =	vst v63  }
0xbf: {  	p1 =	seq.s32 s10, $0x480;
	_ =	swait.ge [sflag:s15], $0x400  }
0xc0: {  	s10 =	sadd.s32 s5, s12;
	[sflag:s15] =	ssyncset.done $0x0  }
0xc1: {  	s5 =	smov.u32 s20;
	s20 =	simm.s32 $0x14080;
	[sflag:s15] =	ssyncadd.s32 $0xFFFFFC00  }
0xc2: {  	[tilespmem:s17], [sflag:$0x2] =	stream.linear.gather [hbm4b:s10+s4], $0x400, $0x38;
	[tilespmem:$0x1C800] =	vst v63  }
0xc3: {  	_ =	swait.ge [sflag:s15], $0x400  }
0xc4: {  	[sflag:s15] =	ssyncset.done $0x0  }
0xc5: {  	[sflag:s15] =	ssyncadd.s32 $0xFFFFFC00  }
0xc6: {  	[tilespmem:s19], [sflag:$0x1] =	stream.indirect.gather [hbm4b:s1+s18], $0x80, s16, s18, $0xb8;
	[tilespmem:$0x1C800] =	vst v63  }
0xc7: {  	_ = 	snop  }
0xc8: {  	[tilespmem:s21], [sflag:$0x1] =	stream.indirect.gather [hbm4b:s1+s18], $0x80, s20, s18, $0xb8;
	[tilespmem:$0x1C800] =	vst v63  }
0xc9: {  	_ =	swait.ge [sflag:s22], $0x4000  }
0xca: {  	[sflag:s22] =	ssyncset.done $0x0  }
0xcb: {  	[sflag:s22] =	ssyncadd.s32 $0xFFFFC000  }
0xcc: {  	[spmem:s3] =	stream.indirect.scatter.add.f32 [tilespmem:s19], [sflag:$0x2], $0x80, s17, s18, $0xb8;
	[tilespmem:$0x1C800] =	vst v63  }
0xcd: {  	_ =	swait.ge [sflag:s15], $0x4000  }
0xce: {  	[sflag:s15] =	ssyncset.done $0x0  }
0xcf: {  	[sflag:s15] =	ssyncadd.s32 $0xFFFFC000  }
0xd0: {  	[tilespmem:s19], [sflag:$0x1] =	stream.indirect.gather [hbm4b:s1+s18], $0x80, s23, s18, $0xb8;
	[tilespmem:$0x1C800] =	vst v63  }
0xd1: {  	_ =	swait.ge [sflag:s22], $0x4000  }
0xd2: {  	[sflag:s22] =	ssyncset.done $0x0  }
0xd3: {  	[sflag:s22] =	ssyncadd.s32 $0xFFFFC000  }
0xd4: {  	[spmem:s3] =	stream.indirect.scatter.add.f32 [tilespmem:s21], [sflag:$0x2], $0x80, s24, s18, $0xb8;
	[tilespmem:$0x1C800] =	vst v63  }
0xd5: {  	_ =	swait.ge [sflag:s15], $0x4000  }
0xd6: {  	[sflag:s15] =	ssyncset.done $0x0  }
0xd7: {  	[sflag:s15] =	ssyncadd.s32 $0xFFFFC000  }
0xd8: {  	[tilespmem:s21], [sflag:$0x1] =	stream.indirect.gather [hbm4b:s1+s18], $0x80, s25, s18, $0xb8;
	[tilespmem:$0x1C800] =	vst v63  }
0xd9: {  	_ =	swait.ge [sflag:s22], $0x4000  }
0xda: {  	[sflag:s22] =	ssyncset.done $0x0  }
0xdb: {  	[sflag:s22] =	ssyncadd.s32 $0xFFFFC000  }
0xdc: {  	[spmem:s3] =	stream.indirect.scatter.add.f32 [tilespmem:s19], [sflag:$0x2], $0x80, s26, s18, $0xb8;
	[tilespmem:$0x1C800] =	vst v63  }
0xdd: {  	_ =	swait.ge [sflag:s15], $0x4000  }
0xde: {  	[sflag:s15] =	ssyncset.done $0x0  }
0xdf: {  	[sflag:s15] =	ssyncadd.s32 $0xFFFFC000  }
0xe0: {  	[tilespmem:s19], [sflag:$0x1] =	stream.indirect.gather [hbm4b:s1+s18], $0x80, s28, s18, $0xb8;
	[tilespmem:$0x1C800] =	vst v63  }
0xe1: {  	_ =	swait.ge [sflag:s22], $0x4000  }
0xe2: {  	[sflag:s22] =	ssyncset.done $0x0  }
0xe3: {  	[sflag:s22] =	ssyncadd.s32 $0xFFFFC000  }
0xe4: {  	[spmem:s3] =	stream.indirect.scatter.add.f32 [tilespmem:s21], [sflag:$0x2], $0x80, s29, s18, $0xb8;
	[tilespmem:$0x1C800] =	vst v63  }
0xe5: {  	_ =	swait.ge [sflag:s15], $0x4000  }
0xe6: {  	[sflag:s15] =	ssyncset.done $0x0  }
0xe7: {  	[sflag:s15] =	ssyncadd.s32 $0xFFFFC000  }
0xe8: {  	[tilespmem:s21], [sflag:$0x1] =	stream.indirect.gather [hbm4b:s1+s18], $0x80, s30, s18, $0xb8;
	[tilespmem:$0x1C800] =	vst v63  }
0xe9: {  	_ =	swait.ge [sflag:s22], $0x4000  }
0xea: {  	[sflag:s22] =	ssyncset.done $0x0  }
0xeb: {  	[sflag:s22] =	ssyncadd.s32 $0xFFFFC000  }
0xec: {  	[spmem:s3] =	stream.indirect.scatter.add.f32 [tilespmem:s19], [sflag:$0x2], $0x80, s31, s18, $0xb8;
	[tilespmem:$0x1C800] =	vst v63  }
0xed: {  	_ =	swait.ge [sflag:s15], $0x4000  }
0xee: {  	[sflag:s15] =	ssyncset.done $0x0  }
0xef: {  	[sflag:s15] =	ssyncadd.s32 $0xFFFFC000  }
0xf0: {  	[tilespmem:s19], [sflag:$0x1] =	stream.indirect.gather [hbm4b:s1+s18], $0x80, s0, s18, $0xb8;
	[tilespmem:$0x1C800] =	vst v63  }
0xf1: {  	_ =	swait.ge [sflag:s22], $0x4000  }
0xf2: {  	[sflag:s22] =	ssyncset.done $0x0  }
0xf3: {  	[sflag:s22] =	ssyncadd.s32 $0xFFFFC000  }
0xf4: {  	[spmem:s3] =	stream.indirect.scatter.add.f32 [tilespmem:s21], [sflag:$0x2], $0x80, s2, s18, $0xb8;
	[tilespmem:$0x1C800] =	vst v63  }
0xf5: {  	_ =	swait.ge [sflag:s15], $0x4000  }
0xf6: {  	[sflag:s15] =	ssyncset.done $0x0  }
0xf7: {  	[sflag:s15] =	ssyncadd.s32 $0xFFFFC000  }
0xf8: {  	[tilespmem:s21], [sflag:$0x1] =	stream.indirect.gather [hbm4b:s1+s18], $0x80, s7, s18, $0xb8;
	[tilespmem:$0x1C800] =	vst v63  }
0xf9: {  	_ =	swait.ge [sflag:s22], $0x4000  }
0xfa: {  	[sflag:s22] =	ssyncset.done $0x0  }
0xfb: {  	[sflag:s22] =	ssyncadd.s32 $0xFFFFC000  }
0xfc: {  	[spmem:s3] =	stream.indirect.scatter.add.f32 [tilespmem:s19], [sflag:$0x2], $0x80, s8, s18, $0xb8;
	[tilespmem:$0x1C800] =	vst v63  }
0xfd: {  	_ =	swait.ge [sflag:s15], $0x4000  }
0xfe: {  	[sflag:s15] =	ssyncset.done $0x0  }
0xff: {  	[sflag:s15] =	ssyncadd.s32 $0xFFFFC000  }
0x100: {  	_ =	swait.ge [sflag:s22], $0x4000  }
.Ltmp3:
0x101: {  	[sflag:s22] =	ssyncset.done $0x0;
	(pc) =	sbr.rel @!p1 .LBB2_3-.Ltmp3, $4  }
0x102: {  	[sflag:s22] =	ssyncadd.s32 $0xFFFFC000  }
0x103: {  	[spmem:s3] =	stream.indirect.scatter.add.f32 [tilespmem:s21], [sflag:$0x2], $0x80, s9, s18, $0xb8;
	[tilespmem:$0x1C800] =	vst v63  }
0x104: {  	_ =	swait.ge [sflag:s15], $0x4000  }
0x105: {  	s10 =	smov.u32 s14;
	[sflag:s15] =	ssyncset.done $0x0  }
0x106: {  	s10 =	sadd.s32 s5, s13;
	[sflag:s15] =	ssyncadd.s32 $0xFFFFC000  }
0x107: {  	[tilespmem:s16], [sflag:$0x2] =	stream.linear.gather [hbm4b:s10+s4], $0x400, $0x38;
	[tilespmem:$0x1C800] =	vst v63  }
0x108: {  	_ =	swait.ge [sflag:s15], $0x400  }
0x109: {  	[sflag:s15] =	ssyncset.done $0x0  }
0x10a: {  	s14 =	sadd.s32 s5, s12;
	[sflag:s15] =	ssyncadd.s32 $0xFFFFFC00  }
0x10b: {  	[tilespmem:s17], [sflag:$0x2] =	stream.linear.gather [hbm4b:s14+s4], $0x400, $0x38;
	[tilespmem:$0x1C800] =	vst v63  }
0x10c: {  	_ =	swait.ge [sflag:s15], $0x400  }
0x10d: {  	[sflag:s15] =	ssyncset.done $0x0  }
0x10e: {  	[sflag:s15] =	ssyncadd.s32 $0xFFFFFC00  }
0x10f: {  	[tilespmem:s19], [sflag:$0x1] =	stream.indirect.gather [hbm4b:s1+s18], $0x80, s16, s18, $0xb8;
	[tilespmem:$0x1C800] =	vst v63  }
0x110: {  	_ = 	snop  }
0x111: {  	[tilespmem:s21], [sflag:$0x1] =	stream.indirect.gather [hbm4b:s1+s18], $0x80, s20, s18, $0xb8;
	[tilespmem:$0x1C800] =	vst v63  }
0x112: {  	_ =	swait.ge [sflag:s22], $0x4000  }
0x113: {  	[sflag:s22] =	ssyncset.done $0x0  }
0x114: {  	[sflag:s22] =	ssyncadd.s32 $0xFFFFC000  }
0x115: {  	[spmem:s3] =	stream.indirect.scatter.add.f32 [tilespmem:s19], [sflag:$0x2], $0x80, s17, s18, $0xb8;
	[tilespmem:$0x1C800] =	vst v63  }
0x116: {  	_ =	swait.ge [sflag:s15], $0x4000  }
0x117: {  	[sflag:s15] =	ssyncset.done $0x0  }
0x118: {  	[sflag:s15] =	ssyncadd.s32 $0xFFFFC000  }
0x119: {  	[tilespmem:s19], [sflag:$0x1] =	stream.indirect.gather [hbm4b:s1+s18], $0x80, s23, s18, $0xb8;
	[tilespmem:$0x1C800] =	vst v63  }
0x11a: {  	_ =	swait.ge [sflag:s22], $0x4000  }
0x11b: {  	[sflag:s22] =	ssyncset.done $0x0  }
0x11c: {  	[sflag:s22] =	ssyncadd.s32 $0xFFFFC000  }
0x11d: {  	[spmem:s3] =	stream.indirect.scatter.add.f32 [tilespmem:s21], [sflag:$0x2], $0x80, s24, s18, $0xb8;
	[tilespmem:$0x1C800] =	vst v63  }
0x11e: {  	_ =	swait.ge [sflag:s15], $0x4000  }
0x11f: {  	[sflag:s15] =	ssyncset.done $0x0  }
0x120: {  	[sflag:s15] =	ssyncadd.s32 $0xFFFFC000  }
0x121: {  	[tilespmem:s21], [sflag:$0x1] =	stream.indirect.gather [hbm4b:s1+s18], $0x80, s25, s18, $0xb8;
	[tilespmem:$0x1C800] =	vst v63  }
0x122: {  	_ =	swait.ge [sflag:s22], $0x4000  }
0x123: {  	[sflag:s22] =	ssyncset.done $0x0  }
0x124: {  	[sflag:s22] =	ssyncadd.s32 $0xFFFFC000  }
0x125: {  	[spmem:s3] =	stream.indirect.scatter.add.f32 [tilespmem:s19], [sflag:$0x2], $0x80, s26, s18, $0xb8;
	[tilespmem:$0x1C800] =	vst v63  }
0x126: {  	_ =	swait.ge [sflag:s15], $0x4000  }
0x127: {  	[sflag:s15] =	ssyncset.done $0x0  }
0x128: {  	[sflag:s15] =	ssyncadd.s32 $0xFFFFC000  }
0x129: {  	[tilespmem:s19], [sflag:$0x1] =	stream.indirect.gather [hbm4b:s1+s18], $0x80, s28, s18, $0xb8;
	[tilespmem:$0x1C800] =	vst v63  }
0x12a: {  	_ =	swait.ge [sflag:s22], $0x4000  }
0x12b: {  	[sflag:s22] =	ssyncset.done $0x0  }
0x12c: {  	[sflag:s22] =	ssyncadd.s32 $0xFFFFC000  }
0x12d: {  	[spmem:s3] =	stream.indirect.scatter.add.f32 [tilespmem:s21], [sflag:$0x2], $0x80, s29, s18, $0xb8;
	[tilespmem:$0x1C800] =	vst v63  }
0x12e: {  	_ =	swait.ge [sflag:s15], $0x4000  }
0x12f: {  	[sflag:s15] =	ssyncset.done $0x0  }
0x130: {  	[sflag:s15] =	ssyncadd.s32 $0xFFFFC000  }
0x131: {  	[tilespmem:s21], [sflag:$0x1] =	stream.indirect.gather [hbm4b:s1+s18], $0x80, s30, s18, $0xb8;
	[tilespmem:$0x1C800] =	vst v63  }
0x132: {  	_ =	swait.ge [sflag:s22], $0x4000  }
0x133: {  	[sflag:s22] =	ssyncset.done $0x0  }
0x134: {  	[sflag:s22] =	ssyncadd.s32 $0xFFFFC000  }
0x135: {  	[spmem:s3] =	stream.indirect.scatter.add.f32 [tilespmem:s19], [sflag:$0x2], $0x80, s31, s18, $0xb8;
	[tilespmem:$0x1C800] =	vst v63  }
0x136: {  	_ =	swait.ge [sflag:s15], $0x4000  }
0x137: {  	[sflag:s15] =	ssyncset.done $0x0  }
0x138: {  	[sflag:s15] =	ssyncadd.s32 $0xFFFFC000  }
0x139: {  	[tilespmem:s19], [sflag:$0x1] =	stream.indirect.gather [hbm4b:s1+s18], $0x80, s0, s18, $0xb8;
	[tilespmem:$0x1C800] =	vst v63  }
0x13a: {  	_ =	swait.ge [sflag:s22], $0x4000  }
0x13b: {  	[sflag:s22] =	ssyncset.done $0x0  }
0x13c: {  	[sflag:s22] =	ssyncadd.s32 $0xFFFFC000  }
0x13d: {  	[spmem:s3] =	stream.indirect.scatter.add.f32 [tilespmem:s21], [sflag:$0x2], $0x80, s2, s18, $0xb8;
	[tilespmem:$0x1C800] =	vst v63  }
0x13e: {  	_ =	swait.ge [sflag:s15], $0x4000  }
0x13f: {  	[sflag:s15] =	ssyncset.done $0x0  }
0x140: {  	[sflag:s15] =	ssyncadd.s32 $0xFFFFC000  }
0x141: {  	[tilespmem:s21], [sflag:$0x1] =	stream.indirect.gather [hbm4b:s1+s18], $0x80, s7, s18, $0xb8;
	[tilespmem:$0x1C800] =	vst v63  }
0x142: {  	_ =	swait.ge [sflag:s22], $0x4000  }
0x143: {  	[sflag:s22] =	ssyncset.done $0x0  }
0x144: {  	[sflag:s22] =	ssyncadd.s32 $0xFFFFC000  }
0x145: {  	[spmem:s3] =	stream.indirect.scatter.add.f32 [tilespmem:s19], [sflag:$0x2], $0x80, s8, s18, $0xb8;
	[tilespmem:$0x1C800] =	vst v63  }
0x146: {  	_ =	swait.ge [sflag:s15], $0x4000  }
0x147: {  	[sflag:s15] =	ssyncset.done $0x0  }
0x148: {  	[sflag:s15] =	ssyncadd.s32 $0xFFFFC000  }
0x149: {  	_ =	swait.ge [sflag:s22], $0x4000  }
0x14a: {  	[sflag:s22] =	ssyncset.done $0x0  }
.Ltmp4:
0x14b: {  	[sflag:s22] =	ssyncadd.s32 $0xFFFFC000;
	(pc) =	sbr.rel .LBB2_8-.Ltmp4, $4  }
0x14c: {  	[spmem:s3] =	stream.indirect.scatter.add.f32 [tilespmem:s21], [sflag:$0x2], $0x80, s9, s18, $0xb8;
	[tilespmem:$0x1C800] =	vst v63  }
0x14d: {  	_ =	swait.ge [sflag:s15], $0x4000  }
0x14e: {  	[sflag:s15] =	ssyncset.done $0x0;
	s5 =	rddreg [dreg:$0x5]  }
0x14f: {  	s14 =	rddreg [dreg:$0xb];
	[sflag:s15] =	ssyncadd.s32 $0xFFFFC000  }
.LBB2_5:
0x150: {  	[tilespmem:s16], [sflag:$0x2] =	stream.linear.gather [hbm4b:s5+s4], $0x400, $0x38;
	[tilespmem:$0x1C800] =	vst v63  }
0x151: {  	_ =	swait.ge [sflag:s15], $0x400  }
0x152: {  	[sflag:s15] =	ssyncset.done $0x0  }
0x153: {  	s14 =	sadd.s32 $0x0, s12;
	[sflag:s15] =	ssyncadd.s32 $0xFFFFFC00  }
0x154: {  	[tilespmem:s17], [sflag:$0x2] =	stream.linear.gather [hbm4b:s14+s4], $0x400, $0x38;
	[tilespmem:$0x1C800] =	vst v63  }
0x155: {  	_ =	swait.ge [sflag:s15], $0x400  }
0x156: {  	[sflag:s15] =	ssyncset.done $0x0  }
0x157: {  	[sflag:s15] =	ssyncadd.s32 $0xFFFFFC00  }
0x158: {  	[tilespmem:s19], [sflag:$0x1] =	stream.indirect.gather [hbm4b:s6+s18], $0x80, s16, s18, $0xb8;
	[tilespmem:$0x1C800] =	vst v63  }
0x159: {  	_ = 	snop  }
0x15a: {  	[tilespmem:s21], [sflag:$0x1] =	stream.indirect.gather [hbm4b:s6+s18], $0x80, s20, s18, $0xb8;
	[tilespmem:$0x1C800] =	vst v63  }
0x15b: {  	_ =	swait.ge [sflag:s22], $0x4000  }
0x15c: {  	[sflag:s22] =	ssyncset.done $0x0  }
0x15d: {  	[sflag:s22] =	ssyncadd.s32 $0xFFFFC000  }
0x15e: {  	[spmem:s3] =	stream.indirect.scatter.add.f32 [tilespmem:s19], [sflag:$0x2], $0x80, s17, s18, $0xb8;
	[tilespmem:$0x1C800] =	vst v63  }
0x15f: {  	_ =	swait.ge [sflag:s15], $0x4000  }
0x160: {  	[sflag:s15] =	ssyncset.done $0x0  }
0x161: {  	[sflag:s15] =	ssyncadd.s32 $0xFFFFC000  }
0x162: {  	[tilespmem:s19], [sflag:$0x1] =	stream.indirect.gather [hbm4b:s6+s18], $0x80, s23, s18, $0xb8;
	[tilespmem:$0x1C800] =	vst v63  }
0x163: {  	_ =	swait.ge [sflag:s22], $0x4000  }
0x164: {  	[sflag:s22] =	ssyncset.done $0x0  }
0x165: {  	[sflag:s22] =	ssyncadd.s32 $0xFFFFC000  }
0x166: {  	[spmem:s3] =	stream.indirect.scatter.add.f32 [tilespmem:s21], [sflag:$0x2], $0x80, s24, s18, $0xb8;
	[tilespmem:$0x1C800] =	vst v63  }
0x167: {  	_ =	swait.ge [sflag:s15], $0x4000  }
0x168: {  	[sflag:s15] =	ssyncset.done $0x0  }
0x169: {  	[sflag:s15] =	ssyncadd.s32 $0xFFFFC000  }
0x16a: {  	[tilespmem:s21], [sflag:$0x1] =	stream.indirect.gather [hbm4b:s6+s18], $0x80, s25, s18, $0xb8;
	[tilespmem:$0x1C800] =	vst v63  }
0x16b: {  	_ =	swait.ge [sflag:s22], $0x4000  }
0x16c: {  	[sflag:s22] =	ssyncset.done $0x0  }
0x16d: {  	[sflag:s22] =	ssyncadd.s32 $0xFFFFC000  }
0x16e: {  	[spmem:s3] =	stream.indirect.scatter.add.f32 [tilespmem:s19], [sflag:$0x2], $0x80, s26, s18, $0xb8;
	[tilespmem:$0x1C800] =	vst v63  }
0x16f: {  	_ =	swait.ge [sflag:s15], $0x4000  }
0x170: {  	[sflag:s15] =	ssyncset.done $0x0  }
0x171: {  	[sflag:s15] =	ssyncadd.s32 $0xFFFFC000  }
0x172: {  	[tilespmem:s19], [sflag:$0x1] =	stream.indirect.gather [hbm4b:s6+s18], $0x80, s28, s18, $0xb8;
	[tilespmem:$0x1C800] =	vst v63  }
0x173: {  	_ =	swait.ge [sflag:s22], $0x4000  }
0x174: {  	[sflag:s22] =	ssyncset.done $0x0  }
0x175: {  	[sflag:s22] =	ssyncadd.s32 $0xFFFFC000  }
0x176: {  	[spmem:s3] =	stream.indirect.scatter.add.f32 [tilespmem:s21], [sflag:$0x2], $0x80, s29, s18, $0xb8;
	[tilespmem:$0x1C800] =	vst v63  }
0x177: {  	_ =	swait.ge [sflag:s15], $0x4000  }
0x178: {  	[sflag:s15] =	ssyncset.done $0x0  }
0x179: {  	[sflag:s15] =	ssyncadd.s32 $0xFFFFC000  }
0x17a: {  	[tilespmem:s21], [sflag:$0x1] =	stream.indirect.gather [hbm4b:s6+s18], $0x80, s30, s18, $0xb8;
	[tilespmem:$0x1C800] =	vst v63  }
0x17b: {  	_ =	swait.ge [sflag:s22], $0x4000  }
0x17c: {  	[sflag:s22] =	ssyncset.done $0x0  }
0x17d: {  	[sflag:s22] =	ssyncadd.s32 $0xFFFFC000  }
0x17e: {  	[spmem:s3] =	stream.indirect.scatter.add.f32 [tilespmem:s19], [sflag:$0x2], $0x80, s31, s18, $0xb8;
	[tilespmem:$0x1C800] =	vst v63  }
0x17f: {  	_ =	swait.ge [sflag:s15], $0x4000  }
0x180: {  	[sflag:s15] =	ssyncset.done $0x0  }
0x181: {  	[sflag:s15] =	ssyncadd.s32 $0xFFFFC000  }
0x182: {  	[tilespmem:s19], [sflag:$0x1] =	stream.indirect.gather [hbm4b:s6+s18], $0x80, s0, s18, $0xb8;
	[tilespmem:$0x1C800] =	vst v63  }
0x183: {  	_ =	swait.ge [sflag:s22], $0x4000  }
0x184: {  	[sflag:s22] =	ssyncset.done $0x0  }
0x185: {  	[sflag:s22] =	ssyncadd.s32 $0xFFFFC000  }
0x186: {  	[spmem:s3] =	stream.indirect.scatter.add.f32 [tilespmem:s21], [sflag:$0x2], $0x80, s2, s18, $0xb8;
	[tilespmem:$0x1C800] =	vst v63  }
0x187: {  	_ =	swait.ge [sflag:s15], $0x4000  }
0x188: {  	[sflag:s15] =	ssyncset.done $0x0  }
0x189: {  	[sflag:s15] =	ssyncadd.s32 $0xFFFFC000  }
0x18a: {  	[tilespmem:s21], [sflag:$0x1] =	stream.indirect.gather [hbm4b:s6+s18], $0x80, s7, s18, $0xb8;
	[tilespmem:$0x1C800] =	vst v63  }
0x18b: {  	_ =	swait.ge [sflag:s22], $0x4000  }
0x18c: {  	[sflag:s22] =	ssyncset.done $0x0  }
0x18d: {  	[sflag:s22] =	ssyncadd.s32 $0xFFFFC000  }
0x18e: {  	[spmem:s3] =	stream.indirect.scatter.add.f32 [tilespmem:s19], [sflag:$0x2], $0x80, s8, s18, $0xb8;
	[tilespmem:$0x1C800] =	vst v63  }
0x18f: {  	_ =	swait.ge [sflag:s15], $0x4000  }
0x190: {  	[sflag:s15] =	ssyncset.done $0x0  }
0x191: {  	[sflag:s15] =	ssyncadd.s32 $0xFFFFC000  }
0x192: {  	_ =	swait.ge [sflag:s22], $0x4000  }
0x193: {  	[sflag:s22] =	ssyncset.done $0x0  }
0x194: {  	[sflag:s22] =	ssyncadd.s32 $0xFFFFC000  }
0x195: {  	[spmem:s3] =	stream.indirect.scatter.add.f32 [tilespmem:s21], [sflag:$0x2], $0x80, s9, s18, $0xb8;
	[tilespmem:$0x1C800] =	vst v63  }
0x196: {  	_ =	swait.ge [sflag:s15], $0x4000  }
0x197: {  	s5 =	simm.s32 $0x80;
	s14 =	simm.s32 $0x100;
	[sflag:s15] =	ssyncset.done $0x0  }
.LBB2_6:
0x198: {  	s11 =	sadd.s32 s5, s13  }
0x199: {  	[sflag:s15] =	ssyncadd.s32 $0xFFFFC000;
	s20 =	smov.u32 s14;
	s10 =	sadd.s32 $0x80, s14  }
0x19a: {  	[tilespmem:s16], [sflag:$0x2] =	stream.linear.gather [hbm4b:s11+s4], $0x400, $0x38;
	[tilespmem:$0x1C800] =	vst v63  }
0x19b: {  	p1 =	sne.s32 s14, $0x480;
	_ =	swait.ge [sflag:s15], $0x400  }
0x19c: {  	s11 =	sadd.s32 s5, s12;
	[sflag:s15] =	ssyncset.done $0x0  }
0x19d: {  	s5 =	smov.u32 s20;
	s20 =	simm.s32 $0x14080;
	[sflag:s15] =	ssyncadd.s32 $0xFFFFFC00  }
0x19e: {  	[tilespmem:s17], [sflag:$0x2] =	stream.linear.gather [hbm4b:s11+s4], $0x400, $0x38;
	[tilespmem:$0x1C800] =	vst v63  }
0x19f: {  	_ =	swait.ge [sflag:s15], $0x400  }
0x1a0: {  	[sflag:s15] =	ssyncset.done $0x0  }
0x1a1: {  	[sflag:s15] =	ssyncadd.s32 $0xFFFFFC00  }
0x1a2: {  	[tilespmem:s19], [sflag:$0x1] =	stream.indirect.gather [hbm4b:s6+s18], $0x80, s16, s18, $0xb8;
	[tilespmem:$0x1C800] =	vst v63  }
0x1a3: {  	_ = 	snop  }
0x1a4: {  	[tilespmem:s21], [sflag:$0x1] =	stream.indirect.gather [hbm4b:s6+s18], $0x80, s20, s18, $0xb8;
	[tilespmem:$0x1C800] =	vst v63  }
0x1a5: {  	_ =	swait.ge [sflag:s22], $0x4000  }
0x1a6: {  	[sflag:s22] =	ssyncset.done $0x0  }
0x1a7: {  	[sflag:s22] =	ssyncadd.s32 $0xFFFFC000  }
0x1a8: {  	[spmem:s3] =	stream.indirect.scatter.add.f32 [tilespmem:s19], [sflag:$0x2], $0x80, s17, s18, $0xb8;
	[tilespmem:$0x1C800] =	vst v63  }
0x1a9: {  	_ =	swait.ge [sflag:s15], $0x4000  }
0x1aa: {  	[sflag:s15] =	ssyncset.done $0x0  }
0x1ab: {  	[sflag:s15] =	ssyncadd.s32 $0xFFFFC000  }
0x1ac: {  	[tilespmem:s19], [sflag:$0x1] =	stream.indirect.gather [hbm4b:s6+s18], $0x80, s23, s18, $0xb8;
	[tilespmem:$0x1C800] =	vst v63  }
0x1ad: {  	_ =	swait.ge [sflag:s22], $0x4000  }
0x1ae: {  	[sflag:s22] =	ssyncset.done $0x0  }
0x1af: {  	[sflag:s22] =	ssyncadd.s32 $0xFFFFC000  }
0x1b0: {  	[spmem:s3] =	stream.indirect.scatter.add.f32 [tilespmem:s21], [sflag:$0x2], $0x80, s24, s18, $0xb8;
	[tilespmem:$0x1C800] =	vst v63  }
0x1b1: {  	_ =	swait.ge [sflag:s15], $0x4000  }
0x1b2: {  	[sflag:s15] =	ssyncset.done $0x0  }
0x1b3: {  	[sflag:s15] =	ssyncadd.s32 $0xFFFFC000  }
0x1b4: {  	[tilespmem:s21], [sflag:$0x1] =	stream.indirect.gather [hbm4b:s6+s18], $0x80, s25, s18, $0xb8;
	[tilespmem:$0x1C800] =	vst v63  }
0x1b5: {  	_ =	swait.ge [sflag:s22], $0x4000  }
0x1b6: {  	[sflag:s22] =	ssyncset.done $0x0  }
0x1b7: {  	[sflag:s22] =	ssyncadd.s32 $0xFFFFC000  }
0x1b8: {  	[spmem:s3] =	stream.indirect.scatter.add.f32 [tilespmem:s19], [sflag:$0x2], $0x80, s26, s18, $0xb8;
	[tilespmem:$0x1C800] =	vst v63  }
0x1b9: {  	_ =	swait.ge [sflag:s15], $0x4000  }
0x1ba: {  	[sflag:s15] =	ssyncset.done $0x0  }
0x1bb: {  	[sflag:s15] =	ssyncadd.s32 $0xFFFFC000  }
0x1bc: {  	[tilespmem:s19], [sflag:$0x1] =	stream.indirect.gather [hbm4b:s6+s18], $0x80, s28, s18, $0xb8;
	[tilespmem:$0x1C800] =	vst v63  }
0x1bd: {  	_ =	swait.ge [sflag:s22], $0x4000  }
0x1be: {  	[sflag:s22] =	ssyncset.done $0x0  }
0x1bf: {  	[sflag:s22] =	ssyncadd.s32 $0xFFFFC000  }
0x1c0: {  	[spmem:s3] =	stream.indirect.scatter.add.f32 [tilespmem:s21], [sflag:$0x2], $0x80, s29, s18, $0xb8;
	[tilespmem:$0x1C800] =	vst v63  }
0x1c1: {  	_ =	swait.ge [sflag:s15], $0x4000  }
0x1c2: {  	[sflag:s15] =	ssyncset.done $0x0  }
0x1c3: {  	[sflag:s15] =	ssyncadd.s32 $0xFFFFC000  }
0x1c4: {  	[tilespmem:s21], [sflag:$0x1] =	stream.indirect.gather [hbm4b:s6+s18], $0x80, s30, s18, $0xb8;
	[tilespmem:$0x1C800] =	vst v63  }
0x1c5: {  	_ =	swait.ge [sflag:s22], $0x4000  }
0x1c6: {  	[sflag:s22] =	ssyncset.done $0x0  }
0x1c7: {  	[sflag:s22] =	ssyncadd.s32 $0xFFFFC000  }
0x1c8: {  	[spmem:s3] =	stream.indirect.scatter.add.f32 [tilespmem:s19], [sflag:$0x2], $0x80, s31, s18, $0xb8;
	[tilespmem:$0x1C800] =	vst v63  }
0x1c9: {  	_ =	swait.ge [sflag:s15], $0x4000  }
0x1ca: {  	[sflag:s15] =	ssyncset.done $0x0  }
0x1cb: {  	[sflag:s15] =	ssyncadd.s32 $0xFFFFC000  }
0x1cc: {  	[tilespmem:s19], [sflag:$0x1] =	stream.indirect.gather [hbm4b:s6+s18], $0x80, s0, s18, $0xb8;
	[tilespmem:$0x1C800] =	vst v63  }
0x1cd: {  	_ =	swait.ge [sflag:s22], $0x4000  }
0x1ce: {  	[sflag:s22] =	ssyncset.done $0x0  }
0x1cf: {  	[sflag:s22] =	ssyncadd.s32 $0xFFFFC000  }
0x1d0: {  	[spmem:s3] =	stream.indirect.scatter.add.f32 [tilespmem:s21], [sflag:$0x2], $0x80, s2, s18, $0xb8;
	[tilespmem:$0x1C800] =	vst v63  }
0x1d1: {  	_ =	swait.ge [sflag:s15], $0x4000  }
0x1d2: {  	[sflag:s15] =	ssyncset.done $0x0  }
0x1d3: {  	[sflag:s15] =	ssyncadd.s32 $0xFFFFC000  }
0x1d4: {  	[tilespmem:s21], [sflag:$0x1] =	stream.indirect.gather [hbm4b:s6+s18], $0x80, s7, s18, $0xb8;
	[tilespmem:$0x1C800] =	vst v63  }
0x1d5: {  	_ =	swait.ge [sflag:s22], $0x4000  }
0x1d6: {  	[sflag:s22] =	ssyncset.done $0x0  }
0x1d7: {  	[sflag:s22] =	ssyncadd.s32 $0xFFFFC000  }
0x1d8: {  	[spmem:s3] =	stream.indirect.scatter.add.f32 [tilespmem:s19], [sflag:$0x2], $0x80, s8, s18, $0xb8;
	[tilespmem:$0x1C800] =	vst v63  }
0x1d9: {  	_ =	swait.ge [sflag:s15], $0x4000  }
0x1da: {  	[sflag:s15] =	ssyncset.done $0x0  }
0x1db: {  	[sflag:s15] =	ssyncadd.s32 $0xFFFFC000  }
0x1dc: {  	_ =	swait.ge [sflag:s22], $0x4000  }
.Ltmp5:
0x1dd: {  	[sflag:s22] =	ssyncset.done $0x0;
	(pc) =	sbr.rel @p1 .LBB2_6-.Ltmp5, $4  }
0x1de: {  	[sflag:s22] =	ssyncadd.s32 $0xFFFFC000  }
0x1df: {  	[spmem:s3] =	stream.indirect.scatter.add.f32 [tilespmem:s21], [sflag:$0x2], $0x80, s9, s18, $0xb8;
	[tilespmem:$0x1C800] =	vst v63  }
0x1e0: {  	_ =	swait.ge [sflag:s15], $0x4000  }
0x1e1: {  	s14 =	smov.u32 s10;
	[sflag:s15] =	ssyncset.done $0x0  }
.Ltmp6:
0x1e2: {  	_ = 	snop;
	(pc) =	sbr.rel .LBB2_7-.Ltmp6, $1  }
0x1e3: {  	_ =	sdelay $0x3  }
.LBB2_9:
0x1e4: {  	_ =	sfence.sel $0x180000  }
0x1e5: {  	[bflag:$0x0] =	sbarrier.arrive $0xFFFF  }
0x1e6: {  	_ =	strace $0x9000004A  }
0x1e7: {  	s0 =	stileid.u32;
	[bflag:$0x2] =	sbarrier.arrive $0xFFFF  }
0x1e8: {  	p0 =	sne.s32 s0, $0x0;
	s0 =	rddreg [dreg:$0x3]  }
0x1e9: {  	s0 =	sadd.s32 @!p0 $0x100000, s0  }
0x1ea: {  	[sflag:s0] =	ssyncadd.tile.s32 @!p0 $0x1;
	_ =	shalt  }
.Lfunc_end2:
_tile_overlayer_lowered:
.L_overlay_start_2:
0x1eb: {  	(tag) =	ssettag $0x2  }
0x1ec: {  	s0 =	rddreg [dreg:$0x0];
	s2 =	stileid.u32  }
0x1ed: {  	s1 =	rddreg [dreg:$0x1];
	p0 =	sne.s32 s2, $0x0  }
0x1ee: {  	s3 =	rddreg [dreg:$0x2];
	[bflag:$0x3] =	sbarrier.arrive $0xFFFF;
	s2 =	simm.s32 @!p0 $0x1C02  }
0x1ef: {  	[timem:s3], [sflag:s2] =	dma.local @!p0 [hbm:s0], s1  }
0x1f0: {  	s0 =	simm.s32 @!p0 $0x2  }
0x1f1: {  	_ =	swait.ge @!p0 [sflag:s0], s1  }
0x1f2: {  	s1 =	ssub.s32 @!p0 $0x0, s1;
	[sflag:s0] =	ssyncset.done @!p0 $0x0  }
0x1f3: {  	[sflag:s0] =	ssyncadd.s32 @!p0 s1  }
0x1f4: {  	[bflag:$0x3] =	sbarrier.arrive $0xFFFF  }
0x1f5: {  	_ =	shalt  }

// kernel: kernel.14.cloned.1.call-start
scs
__scs_entry_jumppad:
0x0: {  	(pc) =	sbr.rel $0x88, $3  }
0x1: {  	(tag) =	ssettag $0x0;
	lr =	simm.s32 $0x1  }
0x2: {  	[smem:$0x3F9B] =	sst lr;
	_ =	strace $0xD0000000  }
0x3: {  	_ = 	snop  }
0x4: {  	_ = 	snop  }
0x5: {  	_ = 	snop  }
0x6: {  	_ = 	snop  }
0x7: {  	_ = 	snop  }
__scs_overlays_trampoline_lowered:
0x8: {  	[smem:$0x3FAA] =	sst s0  }
0x9: {  	[smem:$0x3FAB] =	sst s1  }
0xa: {  	[smem:$0x3FAC] =	sst s2  }
0xb: {  	[smem:$0x3FAD] =	sst s3  }
0xc: {  	[smem:$0x3FAE] =	sst s4  }
0xd: {  	[smem:$0x3FAF] =	sst s5  }
0xe: {  	[smem:$0x3FB0] =	sst s6  }
0xf: {  	[smem:$0x3FB1] =	sst s7  }
0x10: {  	[smem:$0x3FB2] =	sst s8  }
0x11: {  	[smem:$0x3FB3] =	sst s9;
	s0 =	simm.s32 @!p0 $0x0  }
0x12: {  	s1 =	sld [smem:$0x3F99];
	s0 =	simm.s32 @p0 $0x1  }
0x13: {  	[smem:$0x3FB4] =	sst s0;
	s0 =	simm.s32 @!p1 $0x0  }
0x14: {  	s2 =	sld [smem:$0x3F98];
	s0 =	simm.s32 @p1 $0x1  }
0x15: {  	[smem:$0x3FB5] =	sst s0;
	s0 =	simm.s32 @!p2 $0x0  }
0x16: {  	s3 =	sld [smem:$0x3FDB];
	s0 =	simm.s32 @p2 $0x1  }
0x17: {  	s4 =	simm.s32 $0x1BF5;
	[smem:$0x3FB7] =	sst s0  }
0x18: {  	s0 =	sld [smem:$0x3F9A];
	_ =	swait.ge [sflag:s4], $0x0  }
0x19: {  	s7 =	sld [smem:$0x3F9B]  }
0x1a: {  	s8 =	sadd.s32 $0xFFFFE003, lr  }
0x1b: {  	s9 =	sadd.s32 $0xFFFFFEF7, lr;
	s5 =	simm.s32 $0xFFFFFFFF;
	p2 =	slt.u32 s8, $0xFFFFF086  }
0x1c: {  	p1 =	slt.u32 s9, $0xF7A;
	s5 =	simm.s32 @!p2 $0x0  }
0x1d: {  	s5 =	simm.s32 @p1 $0x1;
	p0 =	seq.s32 s7, s2  }
0x1e: {  	s7 =	smul.u32 @!p0 $0xF7A, s2;
	p2 =	seq.s32 @!p0 s5, $0x0  }
0x1f: {  	s9 =	smul.u32 $0xF7A, s1;
	s8 =	simm.s32 @!p0 $0x1BF5;
	p2 =	por !p2, p0  }
0x20: {  	[sflag:s8] =	ssyncset.s32 @!p0 $0xFFFFF086;
	s6 =	sadd.s32 @!p0 s3, s7;
	s7 =	simm.s32 @!p0 $0x108  }
0x21: {  	s3 =	sadd.s32 s3, s9;
	s6 =	sadd.s32 @!p0 $0x88, s6;
	s7 =	simm.s32 @p2 $0x1082  }
0x22: {  	[simem:s7], [sflag:s8] =	dma.local @!p0 [hbm:s6], $0xF7A  }
0x23: {  	s9 =	sor.u32 $0xD0000000, s2;
	s6 =	simm.s32 $0x108;
	_ =	swait.ge @!p0 [sflag:s8], $0x0  }
0x24: {  	s3 =	sadd.s32 $0x88, s3;
	s6 =	simm.s32 @!p1 $0x1082;
	[sflag:s4] =	ssyncset.s32 $0xFFFFF086  }
0x25: {  	[simem:s6], [sflag:s4] =	dma.local [hbm:s3], $0xF7A  }
0x26: {  	[smem:$0x3F9B] =	sst s1;
	(tag) =	ssettag s2;
	_ =	strace s9  }
0x27: {  	s1 =	sld [smem:$0x3FAB]  }
0x28: {  	s2 =	sld [smem:$0x3FAC]  }
0x29: {  	s4 =	sld [smem:$0x3FAE]  }
0x2a: {  	p0 =	seq.s32 s5, $0x0;
	s5 =	sld [smem:$0x3FAF]  }
0x2b: {  	s6 =	sld [smem:$0x3FB0]  }
0x2c: {  	s7 =	sld [smem:$0x3FB1]  }
0x2d: {  	s3 =	simm.s32 $0x108;
	s8 =	sld [smem:$0x3FB2]  }
0x2e: {  	s3 =	simm.s32 @!p0 $0x1082;
	s9 =	sld [smem:$0x3FB3]  }
0x2f: {  	lr =	sadd.s32 s0, s3;
	s0 =	sld [smem:$0x3FAA]  }
0x30: {  	s3 =	sld [smem:$0x3FAD]  }
0x31: {  	[smem:$0x3FB6] =	sst s10  }
0x32: {  	s10 =	sld [smem:$0x3FB4];
	_ =	sdelay $0x3  }
0x33: {  	p0 =	seq.s32 s10, $0x1;
	s10 =	sld [smem:$0x3FB6];
	_ =	sdelay $0x3  }
0x34: {  	[smem:$0x3FB6] =	sst s10  }
0x35: {  	s10 =	sld [smem:$0x3FB5];
	_ =	sdelay $0x3  }
0x36: {  	p1 =	seq.s32 s10, $0x1;
	s10 =	sld [smem:$0x3FB6];
	_ =	sdelay $0x3  }
0x37: {  	[smem:$0x3FB6] =	sst s10  }
0x38: {  	s10 =	sld [smem:$0x3FB7]  }
0x39: {  	_ = 	snop;
	(pc) =	sbr.ind lr, $3  }
0x3a: {  	_ = 	snop  }
0x3b: {  	_ = 	snop  }
0x3c: {  	p2 =	seq.s32 s10, $0x1;
	s10 =	sld [smem:$0x3FB6]  }
0x3d: {  	_ =	shalt  }
0x3e: {  	_ =	shalt  }
0x3f: {  	_ =	shalt  }
0x40: {  	_ =	shalt  }
0x41: {  	_ =	shalt  }
0x42: {  	_ =	shalt  }
0x43: {  	_ =	shalt  }
0x44: {  	_ =	shalt  }
0x45: {  	_ =	shalt  }
0x46: {  	_ =	shalt  }
0x47: {  	_ =	shalt  }
0x48: {  	_ =	shalt  }
0x49: {  	_ =	shalt  }
0x4a: {  	_ =	shalt  }
0x4b: {  	_ =	shalt  }
0x4c: {  	_ =	shalt  }
0x4d: {  	_ =	shalt  }
0x4e: {  	_ =	shalt  }
0x4f: {  	_ =	shalt  }
0x50: {  	_ =	shalt  }
0x51: {  	_ =	shalt  }
0x52: {  	_ =	shalt  }
0x53: {  	_ =	shalt  }
0x54: {  	_ =	shalt  }
0x55: {  	_ =	shalt  }
0x56: {  	_ =	shalt  }
0x57: {  	_ =	shalt  }
0x58: {  	_ =	shalt  }
0x59: {  	_ =	shalt  }
0x5a: {  	_ =	shalt  }
0x5b: {  	_ =	shalt  }
0x5c: {  	_ =	shalt  }
0x5d: {  	_ =	shalt  }
0x5e: {  	_ =	shalt  }
0x5f: {  	_ =	shalt  }
0x60: {  	_ =	shalt  }
0x61: {  	_ =	shalt  }
0x62: {  	_ =	shalt  }
0x63: {  	_ =	shalt  }
0x64: {  	_ =	shalt  }
0x65: {  	_ =	shalt  }
0x66: {  	_ =	shalt  }
0x67: {  	_ =	shalt  }
0x68: {  	_ =	shalt  }
0x69: {  	_ =	shalt  }
0x6a: {  	_ =	shalt  }
0x6b: {  	_ =	shalt  }
0x6c: {  	_ =	shalt  }
0x6d: {  	_ =	shalt  }
0x6e: {  	_ =	shalt  }
0x6f: {  	_ =	shalt  }
0x70: {  	_ =	shalt  }
0x71: {  	_ =	shalt  }
0x72: {  	_ =	shalt  }
0x73: {  	_ =	shalt  }
0x74: {  	_ =	shalt  }
0x75: {  	_ =	shalt  }
0x76: {  	_ =	shalt  }
0x77: {  	_ =	shalt  }
0x78: {  	_ =	shalt  }
0x79: {  	_ =	shalt  }
0x7a: {  	_ =	shalt  }
0x7b: {  	_ =	shalt  }
0x7c: {  	_ =	shalt  }
0x7d: {  	_ =	shalt  }
0x7e: {  	_ =	shalt  }
0x7f: {  	_ =	shalt  }
0x80: {  	_ =	shalt  }
0x81: {  	_ =	shalt  }
0x82: {  	_ =	shalt  }
0x83: {  	_ =	shalt  }
0x84: {  	_ =	shalt  }
0x85: {  	_ =	shalt  }
0x86: {  	_ =	shalt  }
0x87: {  	_ =	shalt  }
.Lfunc_end0:
.L_simem_size_0:
called_computation.2_lowered:
.L_overlay_start_0:
0x88: {  	s2 =	sld [smem:$0x3FD9]  }
0x89: {  	s3 =	sld [smem:$0x3FFE];
	_ =	sdelay $0x1  }
0x8a: {  	s1 =	srdreg.scid  }
0x8b: {  	s0 =	sand.u32 $0x1, s1  }
0x8c: {  	s17 =	sshll.u32 s0, $0xA;
	s2 =	sadd.s32 s3, s2  }
0x8d: {  	s2 =	sadd.s32 s2, s17  }
0x8e: {  	[smem:$0x3FC2] =	sst s2  }
0x8f: {  	_ = 	snop  }
0x90: {  	s2 =	sld [smem:$0x3FD0];
	(tm) =	ssettm $0x1  }
0x91: {  	s18 =	sld [smem:$0x3FFB];
	_ =	sdelay $0x3  }
0x92: {  	_ =	strace s18  }
0x93: {  	s3 =	sld [smem:$0x3FFC];
	_ =	sdelay $0x3  }
0x94: {  	_ =	strace s3  }
0x95: {  	s3 =	sld [smem:$0x3FFD];
	_ =	sdelay $0x3  }
0x96: {  	_ =	strace s3  }
0x97: {  	_ =	strace $0x8FFFFFFF  }
0x98: {  	s19 =	sld [smem:$0x3FDB];
	_ =	sdelay $0x1  }
0x99: {  	s4 =	simm.s32 $_scs_section_size  }
0x9a: {  	s5 =	simm.s32 $_size__tile_overlayer_lowered;
	s6 =	simm.s32 $_tile_overlayer_lowered  }
0x9b: {  	s22 =	simm.s32 $0x1BFF;
	s21 =	sshll.u32 s6, $0x1;
	s3 =	sadd.s32 s4, s19  }
0x9c: {  	s7 =	simm.s32 $0x0;
	s20 =	sshll.u32 s5, $0x1;
	s5 =	sadd.s32 s21, s3  }
0x9d: {  	[timem:s7], [sflag:s22] =	dma.local [hbm:s5], s20  }
0x9e: {  	_ =	swait.ge [sflag:s22], s20  }
0x9f: {  	s4 =	ssub.s32 $0x0, s20;
	[sflag:s22] =	ssyncset.done $0x0  }
0xa0: {  	[sflag:s22] =	ssyncadd.s32 s4;
	_ =	sdelay $0x1  }
0xa1: {  	s23 =	simm.s32 $0x1B8B  }
0xa2: {  	_ =	swait.ge [sflag:s23], $0x1  }
0xa3: {  	[sflag:s23] =	ssyncset.done $0x0  }
0xa4: {  	s25 =	simm.s32 $0x1B8E;
	s24 =	sld [smem:$0x3FFE];
	[sflag:s23] =	ssyncadd.s32 $0xFFFFFFFF  }
0xa5: {  	s26 =	simm.s32 $execute0_lowered;
	[smem:$0x3FD2] =	sst s25  }
0xa6: {  	s5 =	sshll.u32 s26, $0x1;
	_ =	strace $0x8000004C;
	[dreg:$0x1] =	wrdreg $0xFFFFFFFF  }
0xa7: {  	s28 =	simm.s32 $_size_execute0_lowered;
	s3 =	sadd.s32 s3, s5;
	[dreg:$0x0] =	wrdreg $0x0  }
0xa8: {  	s5 =	sshll.u32 s28, $0x1;
	[dreg:$0x2] =	wrdreg s3  }
0xa9: {  	[dreg:$0x3] =	wrdreg s5  }
0xaa: {  	[dreg:$0x4] =	wrdreg $0xC0  }
0xab: {  	_ =	task [dreg:s7], $0x5FFFF  }
0xac: {  	[dreg:$0x1] =	wrdreg $0xFFFFFFFF  }
0xad: {  	[dreg:$0x0] =	wrdreg $0x60  }
0xae: {  	[dreg:$0x2] =	wrdreg s2  }
0xaf: {  	[dreg:$0x3] =	wrdreg s24  }
0xb0: {  	[dreg:$0x4] =	wrdreg $0x0  }
0xb1: {  	[dreg:$0x5] =	wrdreg $0x9  }
0xb2: {  	_ =	task.clear_ibuf [dreg:s7], $0x6FFFF;
	_ =	strace $0x9000004C  }
0xb3: {  	s29 =	simm.s32 $0x9;
	_ =	strace $0x8000004E  }
0xb4: {  	_ =	swait.ge [sflag:s29], $0x1  }
0xb5: {  	[sflag:s29] =	ssyncadd.s32 $0xFFFFFFFF  }
0xb6: {  	_ =	strace $0x9000004E  }
0xb7: {  	_ =	sfence  }
0xb8: {  	s30 =	sld [smem:$0x0];
	_ =	sdelay $0x2  }
0xb9: {  	s31 =	sshll.u32 s1, $0xD;
	s1 =	sshrl.u32 s1, $0x2  }
0xba: {  	s3 =	sand.u32 $0x4000, s31;
	s1 =	sadd.s32 s1, s30  }
0xbb: {  	s0 =	sor.u32 s3, s0;
	s1 =	sshll.u32 s1, $0x11  }
0xbc: {  	s0 =	sor.u32 s1, s0  }
0xbd: {  	s0 =	sadd.s32 $0x8F2B, s0  }
0xbe: {  	[sflag:s0] =	ssyncadd.remote.s32 $0x1  }
0xbf: {  	_ =	sfence.sel $0xFFFF  }
0xc0: {  	[dreg:$0x0] =	wrdreg $0xFFFFFFFF;
	(pc) =	sbr.abs _section_cstart, $3  }
0xc1: {  	[dreg:$0x1] =	wrdreg $0xFFFFFFFF  }
0xc2: {  	_ =	task.clear_ibuf [dreg:s7], $0x2FFFF;
	_ =	strace $0x9FFFFFFF  }
0xc3: {  	(tm) =	ssettm $0x7FFFFFFF  }
tec
execute0_lowered:
.L_overlay_start_1:
0x0: {  	(tag) =	ssettag $0x1  }
0x1: {  	s0 =	rddreg [dreg:$0x0]  }
0x2: {  	s1 =	rddreg [dreg:$0x1];
	s2 =	srdreg.scid  }
0x3: {  	s3 =	rddreg [dreg:$0x2];
	s10 =	stileid.u32  }
0x4: {  	s4 =	simm.s32 $0x0;
	s12 =	simm.s32 $0x2;
	s13 =	simm.s32 $0x14000  }
0x5: {  	s14 =	simm.s32 $0x14400;
	s15 =	simm.s32 $0x80;
	s16 =	simm.s32 $0x14800  }
0x6: {  	s17 =	simm.s32 $0x14080;
	s18 =	simm.s32 $0x18800;
	s19 =	simm.s32 $0x1  }
0x7: {  	s20 =	simm.s32 $0x14100;
	s21 =	simm.s32 $0x14480;
	s28 =	simm.s32 $0x14600  }
0x8: {  	s29 =	simm.s32 $0x14300;
	s30 =	simm.s32 $0x14680;
	s6 =	smul.u32 $0x2800, s10  }
0x9: {  	s31 =	simm.s32 $0x14380;
	s2 =	sand.u32 $0x1, s2;
	s8 =	smul.u32 $0x50000, s10  }
0xa: {  	[smem:$0x7FF] =	sst s4;
	s25 =	smul.u32 $0x280, s10;
	s26 =	sshll.u32 s10, $0x6  }
0xb: {  	s5 =	smul.u32 $0x2800, s2;
	s7 =	ssub.s32 $0x2, s2;
	_ =	strace $0x8000004D  }
0xc: {  	p0 =	seq.s32 s2, $0x1;
	s2 =	simm.s32 $0x5C800;
	s11 =	sor.u32 $0x1C02, s26  }
0xd: {  	s26 =	simm.s32 $0x14280;
	s9 =	sshrl.u32 s7, $0x1;
	s23 =	sshrl.u32 s8, $0x2  }
0xe: {  	s2 =	simm.s32 @!p0 $0xC800;
	[dreg:$0x5] =	wrdreg s11;
	s5 =	sadd.s32 s5, s1  }
0xf: {  	s1 =	sadd.s32 s6, s1;
	s22 =	ssub.s32 s7, s9;
	s7 =	sadd.s32 s23, s3  }
0x10: {  	s23 =	simm.s32 $0x14500;
	s24 =	sadd.s32 $0x34800, s1;
	s5 =	sadd.s32 s25, s5  }
0x11: {  	s6 =	smax.u32 s22, $0x1;
	s1 =	sadd.s32 s2, s1;
	[dreg:$0x4] =	wrdreg s24  }
0x12: {  	s22 =	simm.s32 $0x14180;
	s25 =	simm.s32 $0x14580;
	[dreg:$0x6] =	wrdreg s6  }
0x13: {  	s2 =	simm.s32 $0x14780;
	[dreg:$0x7] =	wrdreg s1;
	s9 =	sadd.s32 $0x2800, s5  }
0x14: {  	s10 =	sadd.s32 $0x7800, s5;
	s6 =	sshrl.u32 s7, $0x3;
	s24 =	simm.s32 $0x14200  }
0x15: {  	s1 =	simm.s32 $0x14700;
	s7 =	simm.s32 $0x0;
	[dreg:$0x8] =	wrdreg s6  }
.LBB2_1:
0x16: {  	[dreg:$0x9] =	wrdreg s7  }
0x17: {  	s5 =	rddreg [dreg:$0x4]  }
0x18: {  	[spmem:s6], [sflag:s11] =	dma.local [hbm:s5], $0x2800  }
0x19: {  	_ =	swait.ge [sflag:s12], $0x2800  }
0x1a: {  	[sflag:s12] =	ssyncset.done $0x0  }
0x1b: {  	[sflag:s12] =	ssyncadd.s32 $0xFFFFD800  }
0x1c: {  	s8 =	sadd.s32 $0x0, s10;
	[bflag:$0x0] =	sbarrier.arrive $0xFFFF  }
0x1d: {  	[tilespmem:s13], [sflag:$0x2] =	stream.linear.gather [hbm4b:s8+s4], $0x400, $0x38;
	[tilespmem:$0x1C800] =	vst v63  }
0x1e: {  	_ =	swait.ge [sflag:s12], $0x400  }
0x1f: {  	[sflag:s12] =	ssyncset.done $0x0  }
0x20: {  	s11 =	sadd.s32 $0x0, s9;
	[sflag:s12] =	ssyncadd.s32 $0xFFFFFC00  }
0x21: {  	[tilespmem:s14], [sflag:$0x2] =	stream.linear.gather [hbm4b:s11+s4], $0x400, $0x38;
	[tilespmem:$0x1C800] =	vst v63  }
0x22: {  	_ =	swait.ge [sflag:s12], $0x400  }
0x23: {  	[sflag:s12] =	ssyncset.done $0x0  }
0x24: {  	[sflag:s12] =	ssyncadd.s32 $0xFFFFFC00  }
0x25: {  	[tilespmem:s16], [sflag:$0x1] =	stream.indirect.gather [hbm4b:s0+s15], $0x80, s13, s15, $0xb8;
	[tilespmem:$0x1C800] =	vst v63  }
0x26: {  	_ = 	snop  }
0x27: {  	[tilespmem:s18], [sflag:$0x1] =	stream.indirect.gather [hbm4b:s0+s15], $0x80, s17, s15, $0xb8;
	[tilespmem:$0x1C800] =	vst v63  }
0x28: {  	_ =	swait.ge [sflag:s19], $0x4000  }
0x29: {  	[sflag:s19] =	ssyncset.done $0x0  }
0x2a: {  	[sflag:s19] =	ssyncadd.s32 $0xFFFFC000  }
0x2b: {  	[spmem:s3] =	stream.indirect.scatter.add.f32 [tilespmem:s16], [sflag:$0x2], $0x80, s14, s15, $0xb8;
	[tilespmem:$0x1C800] =	vst v63  }
0x2c: {  	_ =	swait.ge [sflag:s12], $0x4000  }
0x2d: {  	[sflag:s12] =	ssyncset.done $0x0  }
0x2e: {  	[sflag:s12] =	ssyncadd.s32 $0xFFFFC000  }
0x2f: {  	[tilespmem:s16], [sflag:$0x1] =	stream.indirect.gather [hbm4b:s0+s15], $0x80, s20, s15, $0xb8;
	[tilespmem:$0x1C800] =	vst v63  }
0x30: {  	_ =	swait.ge [sflag:s19], $0x4000  }
0x31: {  	[sflag:s19] =	ssyncset.done $0x0  }
0x32: {  	[sflag:s19] =	ssyncadd.s32 $0xFFFFC000  }
0x33: {  	[spmem:s3] =	stream.indirect.scatter.add.f32 [tilespmem:s18], [sflag:$0x2], $0x80, s21, s15, $0xb8;
	[tilespmem:$0x1C800] =	vst v63  }
0x34: {  	_ =	swait.ge [sflag:s12], $0x4000  }
0x35: {  	[sflag:s12] =	ssyncset.done $0x0  }
0x36: {  	[sflag:s12] =	ssyncadd.s32 $0xFFFFC000  }
0x37: {  	[tilespmem:s18], [sflag:$0x1] =	stream.indirect.gather [hbm4b:s0+s15], $0x80, s22, s15, $0xb8;
	[tilespmem:$0x1C800] =	vst v63  }
0x38: {  	_ =	swait.ge [sflag:s19], $0x4000  }
0x39: {  	[sflag:s19] =	ssyncset.done $0x0  }
0x3a: {  	[sflag:s19] =	ssyncadd.s32 $0xFFFFC000  }
0x3b: {  	[spmem:s3] =	stream.indirect.scatter.add.f32 [tilespmem:s16], [sflag:$0x2], $0x80, s23, s15, $0xb8;
	[tilespmem:$0x1C800] =	vst v63  }
0x3c: {  	_ =	swait.ge [sflag:s12], $0x4000  }
0x3d: {  	[sflag:s12] =	ssyncset.done $0x0  }
0x3e: {  	[sflag:s12] =	ssyncadd.s32 $0xFFFFC000  }
0x3f: {  	[tilespmem:s16], [sflag:$0x1] =	stream.indirect.gather [hbm4b:s0+s15], $0x80, s24, s15, $0xb8;
	[tilespmem:$0x1C800] =	vst v63  }
0x40: {  	_ =	swait.ge [sflag:s19], $0x4000  }
0x41: {  	[sflag:s19] =	ssyncset.done $0x0  }
0x42: {  	[sflag:s19] =	ssyncadd.s32 $0xFFFFC000  }
0x43: {  	[spmem:s3] =	stream.indirect.scatter.add.f32 [tilespmem:s18], [sflag:$0x2], $0x80, s25, s15, $0xb8;
	[tilespmem:$0x1C800] =	vst v63  }
0x44: {  	_ =	swait.ge [sflag:s12], $0x4000  }
0x45: {  	[sflag:s12] =	ssyncset.done $0x0  }
0x46: {  	[sflag:s12] =	ssyncadd.s32 $0xFFFFC000  }
0x47: {  	[tilespmem:s18], [sflag:$0x1] =	stream.indirect.gather [hbm4b:s0+s15], $0x80, s26, s15, $0xb8;
	[tilespmem:$0x1C800] =	vst v63  }
0x48: {  	_ =	swait.ge [sflag:s19], $0x4000  }
0x49: {  	[sflag:s19] =	ssyncset.done $0x0  }
0x4a: {  	[sflag:s19] =	ssyncadd.s32 $0xFFFFC000  }
0x4b: {  	[spmem:s3] =	stream.indirect.scatter.add.f32 [tilespmem:s16], [sflag:$0x2], $0x80, s28, s15, $0xb8;
	[tilespmem:$0x1C800] =	vst v63  }
0x4c: {  	_ =	swait.ge [sflag:s12], $0x4000  }
0x4d: {  	[sflag:s12] =	ssyncset.done $0x0  }
0x4e: {  	[sflag:s12] =	ssyncadd.s32 $0xFFFFC000  }
0x4f: {  	[tilespmem:s16], [sflag:$0x1] =	stream.indirect.gather [hbm4b:s0+s15], $0x80, s29, s15, $0xb8;
	[tilespmem:$0x1C800] =	vst v63  }
0x50: {  	_ =	swait.ge [sflag:s19], $0x4000  }
0x51: {  	[sflag:s19] =	ssyncset.done $0x0  }
0x52: {  	[sflag:s19] =	ssyncadd.s32 $0xFFFFC000  }
0x53: {  	[spmem:s3] =	stream.indirect.scatter.add.f32 [tilespmem:s18], [sflag:$0x2], $0x80, s30, s15, $0xb8;
	[tilespmem:$0x1C800] =	vst v63  }
0x54: {  	_ =	swait.ge [sflag:s12], $0x4000  }
0x55: {  	[sflag:s12] =	ssyncset.done $0x0  }
0x56: {  	[sflag:s12] =	ssyncadd.s32 $0xFFFFC000  }
0x57: {  	[tilespmem:s18], [sflag:$0x1] =	stream.indirect.gather [hbm4b:s0+s15], $0x80, s31, s15, $0xb8;
	[tilespmem:$0x1C800] =	vst v63  }
0x58: {  	_ =	swait.ge [sflag:s19], $0x4000  }
0x59: {  	[sflag:s19] =	ssyncset.done $0x0  }
0x5a: {  	[sflag:s19] =	ssyncadd.s32 $0xFFFFC000  }
0x5b: {  	[spmem:s3] =	stream.indirect.scatter.add.f32 [tilespmem:s16], [sflag:$0x2], $0x80, s1, s15, $0xb8;
	[tilespmem:$0x1C800] =	vst v63  }
0x5c: {  	_ =	swait.ge [sflag:s12], $0x4000  }
0x5d: {  	[sflag:s12] =	ssyncset.done $0x0  }
0x5e: {  	[sflag:s12] =	ssyncadd.s32 $0xFFFFC000  }
0x5f: {  	_ =	swait.ge [sflag:s19], $0x4000  }
0x60: {  	[sflag:s19] =	ssyncset.done $0x0  }
0x61: {  	[sflag:s19] =	ssyncadd.s32 $0xFFFFC000  }
0x62: {  	[spmem:s3] =	stream.indirect.scatter.add.f32 [tilespmem:s18], [sflag:$0x2], $0x80, s2, s15, $0xb8;
	[tilespmem:$0x1C800] =	vst v63  }
0x63: {  	_ =	swait.ge [sflag:s12], $0x4000  }
0x64: {  	s7 =	simm.s32 $0x80;
	s8 =	simm.s32 $0x100;
	[sflag:s12] =	ssyncset.done $0x0  }
.LBB2_2:
0x65: {  	s11 =	sadd.s32 s7, s10  }
0x66: {  	[sflag:s12] =	ssyncadd.s32 $0xFFFFC000;
	s5 =	smov.u32 s8;
	s6 =	sadd.s32 $0x80, s8  }
0x67: {  	[tilespmem:s13], [sflag:$0x2] =	stream.linear.gather [hbm4b:s11+s4], $0x400, $0x38;
	[tilespmem:$0x1C800] =	vst v63  }
0x68: {  	p0 =	sne.s32 s8, $0x200;
	_ =	swait.ge [sflag:s12], $0x400  }
0x69: {  	[sflag:s12] =	ssyncset.done $0x0  }
0x6a: {  	s8 =	sadd.s32 s7, s9;
	s7 =	smov.u32 s5;
	[sflag:s12] =	ssyncadd.s32 $0xFFFFFC00  }
0x6b: {  	[tilespmem:s14], [sflag:$0x2] =	stream.linear.gather [hbm4b:s8+s4], $0x400, $0x38;
	[tilespmem:$0x1C800] =	vst v63  }
0x6c: {  	_ =	swait.ge [sflag:s12], $0x400  }
0x6d: {  	[sflag:s12] =	ssyncset.done $0x0  }
0x6e: {  	[sflag:s12] =	ssyncadd.s32 $0xFFFFFC00  }
0x6f: {  	[tilespmem:s16], [sflag:$0x1] =	stream.indirect.gather [hbm4b:s0+s15], $0x80, s13, s15, $0xb8;
	[tilespmem:$0x1C800] =	vst v63  }
0x70: {  	_ = 	snop  }
0x71: {  	[tilespmem:s18], [sflag:$0x1] =	stream.indirect.gather [hbm4b:s0+s15], $0x80, s17, s15, $0xb8;
	[tilespmem:$0x1C800] =	vst v63  }
0x72: {  	_ =	swait.ge [sflag:s19], $0x4000  }
0x73: {  	[sflag:s19] =	ssyncset.done $0x0  }
0x74: {  	[sflag:s19] =	ssyncadd.s32 $0xFFFFC000  }
0x75: {  	[spmem:s3] =	stream.indirect.scatter.add.f32 [tilespmem:s16], [sflag:$0x2], $0x80, s14, s15, $0xb8;
	[tilespmem:$0x1C800] =	vst v63  }
0x76: {  	_ =	swait.ge [sflag:s12], $0x4000  }
0x77: {  	[sflag:s12] =	ssyncset.done $0x0  }
0x78: {  	[sflag:s12] =	ssyncadd.s32 $0xFFFFC000  }
0x79: {  	[tilespmem:s16], [sflag:$0x1] =	stream.indirect.gather [hbm4b:s0+s15], $0x80, s20, s15, $0xb8;
	[tilespmem:$0x1C800] =	vst v63  }
0x7a: {  	_ =	swait.ge [sflag:s19], $0x4000  }
0x7b: {  	[sflag:s19] =	ssyncset.done $0x0  }
0x7c: {  	[sflag:s19] =	ssyncadd.s32 $0xFFFFC000  }
0x7d: {  	[spmem:s3] =	stream.indirect.scatter.add.f32 [tilespmem:s18], [sflag:$0x2], $0x80, s21, s15, $0xb8;
	[tilespmem:$0x1C800] =	vst v63  }
0x7e: {  	_ =	swait.ge [sflag:s12], $0x4000  }
0x7f: {  	[sflag:s12] =	ssyncset.done $0x0  }
0x80: {  	[sflag:s12] =	ssyncadd.s32 $0xFFFFC000  }
0x81: {  	[tilespmem:s18], [sflag:$0x1] =	stream.indirect.gather [hbm4b:s0+s15], $0x80, s22, s15, $0xb8;
	[tilespmem:$0x1C800] =	vst v63  }
0x82: {  	_ =	swait.ge [sflag:s19], $0x4000  }
0x83: {  	[sflag:s19] =	ssyncset.done $0x0  }
0x84: {  	[sflag:s19] =	ssyncadd.s32 $0xFFFFC000  }
0x85: {  	[spmem:s3] =	stream.indirect.scatter.add.f32 [tilespmem:s16], [sflag:$0x2], $0x80, s23, s15, $0xb8;
	[tilespmem:$0x1C800] =	vst v63  }
0x86: {  	_ =	swait.ge [sflag:s12], $0x4000  }
0x87: {  	[sflag:s12] =	ssyncset.done $0x0  }
0x88: {  	[sflag:s12] =	ssyncadd.s32 $0xFFFFC000  }
0x89: {  	[tilespmem:s16], [sflag:$0x1] =	stream.indirect.gather [hbm4b:s0+s15], $0x80, s24, s15, $0xb8;
	[tilespmem:$0x1C800] =	vst v63  }
0x8a: {  	_ =	swait.ge [sflag:s19], $0x4000  }
0x8b: {  	[sflag:s19] =	ssyncset.done $0x0  }
0x8c: {  	[sflag:s19] =	ssyncadd.s32 $0xFFFFC000  }
0x8d: {  	[spmem:s3] =	stream.indirect.scatter.add.f32 [tilespmem:s18], [sflag:$0x2], $0x80, s25, s15, $0xb8;
	[tilespmem:$0x1C800] =	vst v63  }
0x8e: {  	_ =	swait.ge [sflag:s12], $0x4000  }
0x8f: {  	[sflag:s12] =	ssyncset.done $0x0  }
0x90: {  	[sflag:s12] =	ssyncadd.s32 $0xFFFFC000  }
0x91: {  	[tilespmem:s18], [sflag:$0x1] =	stream.indirect.gather [hbm4b:s0+s15], $0x80, s26, s15, $0xb8;
	[tilespmem:$0x1C800] =	vst v63  }
0x92: {  	_ =	swait.ge [sflag:s19], $0x4000  }
0x93: {  	[sflag:s19] =	ssyncset.done $0x0  }
0x94: {  	[sflag:s19] =	ssyncadd.s32 $0xFFFFC000  }
0x95: {  	[spmem:s3] =	stream.indirect.scatter.add.f32 [tilespmem:s16], [sflag:$0x2], $0x80, s28, s15, $0xb8;
	[tilespmem:$0x1C800] =	vst v63  }
0x96: {  	_ =	swait.ge [sflag:s12], $0x4000  }
0x97: {  	[sflag:s12] =	ssyncset.done $0x0  }
0x98: {  	[sflag:s12] =	ssyncadd.s32 $0xFFFFC000  }
0x99: {  	[tilespmem:s16], [sflag:$0x1] =	stream.indirect.gather [hbm4b:s0+s15], $0x80, s29, s15, $0xb8;
	[tilespmem:$0x1C800] =	vst v63  }
0x9a: {  	_ =	swait.ge [sflag:s19], $0x4000  }
0x9b: {  	[sflag:s19] =	ssyncset.done $0x0  }
0x9c: {  	[sflag:s19] =	ssyncadd.s32 $0xFFFFC000  }
0x9d: {  	[spmem:s3] =	stream.indirect.scatter.add.f32 [tilespmem:s18], [sflag:$0x2], $0x80, s30, s15, $0xb8;
	[tilespmem:$0x1C800] =	vst v63  }
0x9e: {  	_ =	swait.ge [sflag:s12], $0x4000  }
0x9f: {  	[sflag:s12] =	ssyncset.done $0x0  }
0xa0: {  	[sflag:s12] =	ssyncadd.s32 $0xFFFFC000  }
0xa1: {  	[tilespmem:s18], [sflag:$0x1] =	stream.indirect.gather [hbm4b:s0+s15], $0x80, s31, s15, $0xb8;
	[tilespmem:$0x1C800] =	vst v63  }
0xa2: {  	_ =	swait.ge [sflag:s19], $0x4000  }
0xa3: {  	[sflag:s19] =	ssyncset.done $0x0  }
0xa4: {  	[sflag:s19] =	ssyncadd.s32 $0xFFFFC000  }
0xa5: {  	[spmem:s3] =	stream.indirect.scatter.add.f32 [tilespmem:s16], [sflag:$0x2], $0x80, s1, s15, $0xb8;
	[tilespmem:$0x1C800] =	vst v63  }
0xa6: {  	_ =	swait.ge [sflag:s12], $0x4000  }
0xa7: {  	[sflag:s12] =	ssyncset.done $0x0  }
0xa8: {  	[sflag:s12] =	ssyncadd.s32 $0xFFFFC000  }
0xa9: {  	_ =	swait.ge [sflag:s19], $0x4000  }
.Ltmp0:
0xaa: {  	[sflag:s19] =	ssyncset.done $0x0;
	(pc) =	sbr.rel @p0 .LBB2_2-.Ltmp0, $4  }
0xab: {  	[sflag:s19] =	ssyncadd.s32 $0xFFFFC000  }
0xac: {  	[spmem:s3] =	stream.indirect.scatter.add.f32 [tilespmem:s18], [sflag:$0x2], $0x80, s2, s15, $0xb8;
	[tilespmem:$0x1C800] =	vst v63  }
0xad: {  	_ =	swait.ge [sflag:s12], $0x4000  }
0xae: {  	s8 =	smov.u32 s6;
	[sflag:s12] =	ssyncset.done $0x0  }
0xaf: {  	s5 =	sadd.s32 s7, s10;
	[sflag:s12] =	ssyncadd.s32 $0xFFFFC000  }
0xb0: {  	[tilespmem:s13], [sflag:$0x2] =	stream.linear.gather [hbm4b:s5+s4], $0x400, $0x38;
	[tilespmem:$0x1C800] =	vst v63  }
0xb1: {  	_ =	swait.ge [sflag:s12], $0x400  }
0xb2: {  	[sflag:s12] =	ssyncset.done $0x0  }
0xb3: {  	s7 =	sadd.s32 s7, s9;
	[sflag:s12] =	ssyncadd.s32 $0xFFFFFC00  }
0xb4: {  	[tilespmem:s14], [sflag:$0x2] =	stream.linear.gather [hbm4b:s7+s4], $0x400, $0x38;
	[tilespmem:$0x1C800] =	vst v63  }
0xb5: {  	_ =	swait.ge [sflag:s12], $0x400  }
0xb6: {  	[sflag:s12] =	ssyncset.done $0x0  }
0xb7: {  	[sflag:s12] =	ssyncadd.s32 $0xFFFFFC00  }
0xb8: {  	[tilespmem:s16], [sflag:$0x1] =	stream.indirect.gather [hbm4b:s0+s15], $0x80, s13, s15, $0xb8;
	[tilespmem:$0x1C800] =	vst v63  }
0xb9: {  	_ = 	snop  }
0xba: {  	[tilespmem:s18], [sflag:$0x1] =	stream.indirect.gather [hbm4b:s0+s15], $0x80, s17, s15, $0xb8;
	[tilespmem:$0x1C800] =	vst v63  }
0xbb: {  	_ =	swait.ge [sflag:s19], $0x4000  }
0xbc: {  	[sflag:s19] =	ssyncset.done $0x0  }
0xbd: {  	[sflag:s19] =	ssyncadd.s32 $0xFFFFC000  }
0xbe: {  	[spmem:s3] =	stream.indirect.scatter.add.f32 [tilespmem:s16], [sflag:$0x2], $0x80, s14, s15, $0xb8;
	[tilespmem:$0x1C800] =	vst v63  }
0xbf: {  	_ =	swait.ge [sflag:s12], $0x4000  }
0xc0: {  	[sflag:s12] =	ssyncset.done $0x0  }
0xc1: {  	[sflag:s12] =	ssyncadd.s32 $0xFFFFC000  }
0xc2: {  	[tilespmem:s16], [sflag:$0x1] =	stream.indirect.gather [hbm4b:s0+s15], $0x80, s20, s15, $0xb8;
	[tilespmem:$0x1C800] =	vst v63  }
0xc3: {  	_ =	swait.ge [sflag:s19], $0x4000  }
0xc4: {  	[sflag:s19] =	ssyncset.done $0x0  }
0xc5: {  	[sflag:s19] =	ssyncadd.s32 $0xFFFFC000  }
0xc6: {  	[spmem:s3] =	stream.indirect.scatter.add.f32 [tilespmem:s18], [sflag:$0x2], $0x80, s21, s15, $0xb8;
	[tilespmem:$0x1C800] =	vst v63  }
0xc7: {  	_ =	swait.ge [sflag:s12], $0x4000  }
0xc8: {  	[sflag:s12] =	ssyncset.done $0x0  }
0xc9: {  	[sflag:s12] =	ssyncadd.s32 $0xFFFFC000  }
0xca: {  	[tilespmem:s18], [sflag:$0x1] =	stream.indirect.gather [hbm4b:s0+s15], $0x80, s22, s15, $0xb8;
	[tilespmem:$0x1C800] =	vst v63  }
0xcb: {  	_ =	swait.ge [sflag:s19], $0x4000  }
0xcc: {  	[sflag:s19] =	ssyncset.done $0x0  }
0xcd: {  	[sflag:s19] =	ssyncadd.s32 $0xFFFFC000  }
0xce: {  	[spmem:s3] =	stream.indirect.scatter.add.f32 [tilespmem:s16], [sflag:$0x2], $0x80, s23, s15, $0xb8;
	[tilespmem:$0x1C800] =	vst v63  }
0xcf: {  	_ =	swait.ge [sflag:s12], $0x4000  }
0xd0: {  	[sflag:s12] =	ssyncset.done $0x0  }
0xd1: {  	[sflag:s12] =	ssyncadd.s32 $0xFFFFC000  }
0xd2: {  	[tilespmem:s16], [sflag:$0x1] =	stream.indirect.gather [hbm4b:s0+s15], $0x80, s24, s15, $0xb8;
	[tilespmem:$0x1C800] =	vst v63  }
0xd3: {  	_ =	swait.ge [sflag:s19], $0x4000  }
0xd4: {  	[sflag:s19] =	ssyncset.done $0x0  }
0xd5: {  	[sflag:s19] =	ssyncadd.s32 $0xFFFFC000  }
0xd6: {  	[spmem:s3] =	stream.indirect.scatter.add.f32 [tilespmem:s18], [sflag:$0x2], $0x80, s25, s15, $0xb8;
	[tilespmem:$0x1C800] =	vst v63  }
0xd7: {  	_ =	swait.ge [sflag:s12], $0x4000  }
0xd8: {  	[sflag:s12] =	ssyncset.done $0x0  }
0xd9: {  	[sflag:s12] =	ssyncadd.s32 $0xFFFFC000  }
0xda: {  	[tilespmem:s18], [sflag:$0x1] =	stream.indirect.gather [hbm4b:s0+s15], $0x80, s26, s15, $0xb8;
	[tilespmem:$0x1C800] =	vst v63  }
0xdb: {  	_ =	swait.ge [sflag:s19], $0x4000  }
0xdc: {  	[sflag:s19] =	ssyncset.done $0x0  }
0xdd: {  	[sflag:s19] =	ssyncadd.s32 $0xFFFFC000  }
0xde: {  	[spmem:s3] =	stream.indirect.scatter.add.f32 [tilespmem:s16], [sflag:$0x2], $0x80, s28, s15, $0xb8;
	[tilespmem:$0x1C800] =	vst v63  }
0xdf: {  	_ =	swait.ge [sflag:s12], $0x4000  }
0xe0: {  	[sflag:s12] =	ssyncset.done $0x0  }
0xe1: {  	[sflag:s12] =	ssyncadd.s32 $0xFFFFC000  }
0xe2: {  	[tilespmem:s16], [sflag:$0x1] =	stream.indirect.gather [hbm4b:s0+s15], $0x80, s29, s15, $0xb8;
	[tilespmem:$0x1C800] =	vst v63  }
0xe3: {  	_ =	swait.ge [sflag:s19], $0x4000  }
0xe4: {  	[sflag:s19] =	ssyncset.done $0x0  }
0xe5: {  	[sflag:s19] =	ssyncadd.s32 $0xFFFFC000  }
0xe6: {  	[spmem:s3] =	stream.indirect.scatter.add.f32 [tilespmem:s18], [sflag:$0x2], $0x80, s30, s15, $0xb8;
	[tilespmem:$0x1C800] =	vst v63  }
0xe7: {  	_ =	swait.ge [sflag:s12], $0x4000  }
0xe8: {  	[sflag:s12] =	ssyncset.done $0x0  }
0xe9: {  	[sflag:s12] =	ssyncadd.s32 $0xFFFFC000  }
0xea: {  	[tilespmem:s18], [sflag:$0x1] =	stream.indirect.gather [hbm4b:s0+s15], $0x80, s31, s15, $0xb8;
	[tilespmem:$0x1C800] =	vst v63  }
0xeb: {  	_ =	swait.ge [sflag:s19], $0x4000  }
0xec: {  	[sflag:s19] =	ssyncset.done $0x0  }
0xed: {  	[sflag:s19] =	ssyncadd.s32 $0xFFFFC000  }
0xee: {  	[spmem:s3] =	stream.indirect.scatter.add.f32 [tilespmem:s16], [sflag:$0x2], $0x80, s1, s15, $0xb8;
	[tilespmem:$0x1C800] =	vst v63  }
0xef: {  	_ =	swait.ge [sflag:s12], $0x4000  }
0xf0: {  	[sflag:s12] =	ssyncset.done $0x0  }
0xf1: {  	[sflag:s12] =	ssyncadd.s32 $0xFFFFC000  }
0xf2: {  	_ =	swait.ge [sflag:s19], $0x4000  }
0xf3: {  	[sflag:s19] =	ssyncset.done $0x0  }
0xf4: {  	[sflag:s19] =	ssyncadd.s32 $0xFFFFC000  }
0xf5: {  	[spmem:s3] =	stream.indirect.scatter.add.f32 [tilespmem:s18], [sflag:$0x2], $0x80, s2, s15, $0xb8;
	[tilespmem:$0x1C800] =	vst v63  }
0xf6: {  	_ =	swait.ge [sflag:s12], $0x4000  }
0xf7: {  	[sflag:s12] =	ssyncset.done $0x0  }
0xf8: {  	[sflag:s12] =	ssyncadd.s32 $0xFFFFC000  }
0xf9: {  	[bflag:$0x0] =	sbarrier.arrive $0xFFFF  }
0xfa: {  	s11 =	rddreg [dreg:$0x5]  }
0xfb: {  	s8 =	rddreg [dreg:$0x7]  }
0xfc: {  	s6 =	rddreg [dreg:$0x8]  }
0xfd: {  	[hbm:s8], [sflag:s11] =	dma.local [spmem:s6], $0x2800  }
0xfe: {  	_ =	swait.ge [sflag:s12], $0x2800  }
0xff: {  	s5 =	rddreg [dreg:$0x9]  }
0x100: {  	s8 =	rddreg [dreg:$0x6];
	s7 =	sadd.s32 $0x1, s5  }
0x101: {  	p0 =	sne.s32 s7, s8  }
.Ltmp1:
0x102: {  	_ = 	snop;
	(pc) =	sbr.rel @p0 .LBB2_1-.Ltmp1, $3  }
0x103: {  	_ =	sdelay $0x1  }
0x104: {  	[sflag:s12] =	ssyncset.done $0x0  }
0x105: {  	[sflag:s12] =	ssyncadd.s32 $0xFFFFD800  }
0x106: {  	_ =	sfence.sel $0x180000  }
0x107: {  	[bflag:$0x0] =	sbarrier.arrive $0xFFFF  }
0x108: {  	_ =	strace $0x9000004D  }
0x109: {  	s0 =	stileid.u32;
	[bflag:$0x2] =	sbarrier.arrive $0xFFFF  }
0x10a: {  	p0 =	sne.s32 s0, $0x0;
	s0 =	rddreg [dreg:$0x3]  }
0x10b: {  	s0 =	sadd.s32 @!p0 $0x100000, s0  }
0x10c: {  	[sflag:s0] =	ssyncadd.tile.s32 @!p0 $0x1;
	_ =	shalt  }
.Lfunc_end2:
_tile_overlayer_lowered:
.L_overlay_start_2:
0x10d: {  	(tag) =	ssettag $0x2  }
0x10e: {  	s0 =	rddreg [dreg:$0x0];
	s2 =	stileid.u32  }
0x10f: {  	s1 =	rddreg [dreg:$0x1];
	p0 =	sne.s32 s2, $0x0  }
0x110: {  	s3 =	rddreg [dreg:$0x2];
	[bflag:$0x3] =	sbarrier.arrive $0xFFFF;
	s2 =	simm.s32 @!p0 $0x1C02  }
0x111: {  	[timem:s3], [sflag:s2] =	dma.local @!p0 [hbm:s0], s1  }
0x112: {  	s0 =	simm.s32 @!p0 $0x2  }
0x113: {  	_ =	swait.ge @!p0 [sflag:s0], s1  }
0x114: {  	s1 =	ssub.s32 @!p0 $0x0, s1;
	[sflag:s0] =	ssyncset.done @!p0 $0x0  }
0x115: {  	[sflag:s0] =	ssyncadd.s32 @!p0 s1  }
0x116: {  	[bflag:$0x3] =	sbarrier.arrive $0xFFFF  }
0x117: {  	_ =	shalt  }

// kernel: kernel.8.cloned.1.call-start
scs
__scs_entry_jumppad:
0x0: {  	(pc) =	sbr.rel $0x88, $3  }
0x1: {  	(tag) =	ssettag $0x0;
	lr =	simm.s32 $0x1  }
0x2: {  	[smem:$0x3F9B] =	sst lr;
	_ =	strace $0xD0000000  }
0x3: {  	_ = 	snop  }
0x4: {  	_ = 	snop  }
0x5: {  	_ = 	snop  }
0x6: {  	_ = 	snop  }
0x7: {  	_ = 	snop  }
__scs_overlays_trampoline_lowered:
0x8: {  	[smem:$0x3FAA] =	sst s0  }
0x9: {  	[smem:$0x3FAB] =	sst s1  }
0xa: {  	[smem:$0x3FAC] =	sst s2  }
0xb: {  	[smem:$0x3FAD] =	sst s3  }
0xc: {  	[smem:$0x3FAE] =	sst s4  }
0xd: {  	[smem:$0x3FAF] =	sst s5  }
0xe: {  	[smem:$0x3FB0] =	sst s6  }
0xf: {  	[smem:$0x3FB1] =	sst s7  }
0x10: {  	[smem:$0x3FB2] =	sst s8  }
0x11: {  	[smem:$0x3FB3] =	sst s9;
	s0 =	simm.s32 @!p0 $0x0  }
0x12: {  	s1 =	sld [smem:$0x3F99];
	s0 =	simm.s32 @p0 $0x1  }
0x13: {  	[smem:$0x3FB4] =	sst s0;
	s0 =	simm.s32 @!p1 $0x0  }
0x14: {  	s2 =	sld [smem:$0x3F98];
	s0 =	simm.s32 @p1 $0x1  }
0x15: {  	[smem:$0x3FB5] =	sst s0;
	s0 =	simm.s32 @!p2 $0x0  }
0x16: {  	s3 =	sld [smem:$0x3FDB];
	s0 =	simm.s32 @p2 $0x1  }
0x17: {  	s4 =	simm.s32 $0x1BF5;
	[smem:$0x3FB7] =	sst s0  }
0x18: {  	s0 =	sld [smem:$0x3F9A];
	_ =	swait.ge [sflag:s4], $0x0  }
0x19: {  	s7 =	sld [smem:$0x3F9B]  }
0x1a: {  	s8 =	sadd.s32 $0xFFFFE003, lr  }
0x1b: {  	s9 =	sadd.s32 $0xFFFFFEF7, lr;
	s5 =	simm.s32 $0xFFFFFFFF;
	p2 =	slt.u32 s8, $0xFFFFF086  }
0x1c: {  	p1 =	slt.u32 s9, $0xF7A;
	s5 =	simm.s32 @!p2 $0x0  }
0x1d: {  	s5 =	simm.s32 @p1 $0x1;
	p0 =	seq.s32 s7, s2  }
0x1e: {  	s7 =	smul.u32 @!p0 $0xF7A, s2;
	p2 =	seq.s32 @!p0 s5, $0x0  }
0x1f: {  	s9 =	smul.u32 $0xF7A, s1;
	s8 =	simm.s32 @!p0 $0x1BF5;
	p2 =	por !p2, p0  }
0x20: {  	[sflag:s8] =	ssyncset.s32 @!p0 $0xFFFFF086;
	s6 =	sadd.s32 @!p0 s3, s7;
	s7 =	simm.s32 @!p0 $0x108  }
0x21: {  	s3 =	sadd.s32 s3, s9;
	s6 =	sadd.s32 @!p0 $0x88, s6;
	s7 =	simm.s32 @p2 $0x1082  }
0x22: {  	[simem:s7], [sflag:s8] =	dma.local @!p0 [hbm:s6], $0xF7A  }
0x23: {  	s9 =	sor.u32 $0xD0000000, s2;
	s6 =	simm.s32 $0x108;
	_ =	swait.ge @!p0 [sflag:s8], $0x0  }
0x24: {  	s3 =	sadd.s32 $0x88, s3;
	s6 =	simm.s32 @!p1 $0x1082;
	[sflag:s4] =	ssyncset.s32 $0xFFFFF086  }
0x25: {  	[simem:s6], [sflag:s4] =	dma.local [hbm:s3], $0xF7A  }
0x26: {  	[smem:$0x3F9B] =	sst s1;
	(tag) =	ssettag s2;
	_ =	strace s9  }
0x27: {  	s1 =	sld [smem:$0x3FAB]  }
0x28: {  	s2 =	sld [smem:$0x3FAC]  }
0x29: {  	s4 =	sld [smem:$0x3FAE]  }
0x2a: {  	p0 =	seq.s32 s5, $0x0;
	s5 =	sld [smem:$0x3FAF]  }
0x2b: {  	s6 =	sld [smem:$0x3FB0]  }
0x2c: {  	s7 =	sld [smem:$0x3FB1]  }
0x2d: {  	s3 =	simm.s32 $0x108;
	s8 =	sld [smem:$0x3FB2]  }
0x2e: {  	s3 =	simm.s32 @!p0 $0x1082;
	s9 =	sld [smem:$0x3FB3]  }
0x2f: {  	lr =	sadd.s32 s0, s3;
	s0 =	sld [smem:$0x3FAA]  }
0x30: {  	s3 =	sld [smem:$0x3FAD]  }
0x31: {  	[smem:$0x3FB6] =	sst s10  }
0x32: {  	s10 =	sld [smem:$0x3FB4];
	_ =	sdelay $0x3  }
0x33: {  	p0 =	seq.s32 s10, $0x1;
	s10 =	sld [smem:$0x3FB6];
	_ =	sdelay $0x3  }
0x34: {  	[smem:$0x3FB6] =	sst s10  }
0x35: {  	s10 =	sld [smem:$0x3FB5];
	_ =	sdelay $0x3  }
0x36: {  	p1 =	seq.s32 s10, $0x1;
	s10 =	sld [smem:$0x3FB6];
	_ =	sdelay $0x3  }
0x37: {  	[smem:$0x3FB6] =	sst s10  }
0x38: {  	s10 =	sld [smem:$0x3FB7]  }
0x39: {  	_ = 	snop;
	(pc) =	sbr.ind lr, $3  }
0x3a: {  	_ = 	snop  }
0x3b: {  	_ = 	snop  }
0x3c: {  	p2 =	seq.s32 s10, $0x1;
	s10 =	sld [smem:$0x3FB6]  }
0x3d: {  	_ =	shalt  }
0x3e: {  	_ =	shalt  }
0x3f: {  	_ =	shalt  }
0x40: {  	_ =	shalt  }
0x41: {  	_ =	shalt  }
0x42: {  	_ =	shalt  }
0x43: {  	_ =	shalt  }
0x44: {  	_ =	shalt  }
0x45: {  	_ =	shalt  }
0x46: {  	_ =	shalt  }
0x47: {  	_ =	shalt  }
0x48: {  	_ =	shalt  }
0x49: {  	_ =	shalt  }
0x4a: {  	_ =	shalt  }
0x4b: {  	_ =	shalt  }
0x4c: {  	_ =	shalt  }
0x4d: {  	_ =	shalt  }
0x4e: {  	_ =	shalt  }
0x4f: {  	_ =	shalt  }
0x50: {  	_ =	shalt  }
0x51: {  	_ =	shalt  }
0x52: {  	_ =	shalt  }
0x53: {  	_ =	shalt  }
0x54: {  	_ =	shalt  }
0x55: {  	_ =	shalt  }
0x56: {  	_ =	shalt  }
0x57: {  	_ =	shalt  }
0x58: {  	_ =	shalt  }
0x59: {  	_ =	shalt  }
0x5a: {  	_ =	shalt  }
0x5b: {  	_ =	shalt  }
0x5c: {  	_ =	shalt  }
0x5d: {  	_ =	shalt  }
0x5e: {  	_ =	shalt  }
0x5f: {  	_ =	shalt  }
0x60: {  	_ =	shalt  }
0x61: {  	_ =	shalt  }
0x62: {  	_ =	shalt  }
0x63: {  	_ =	shalt  }
0x64: {  	_ =	shalt  }
0x65: {  	_ =	shalt  }
0x66: {  	_ =	shalt  }
0x67: {  	_ =	shalt  }
0x68: {  	_ =	shalt  }
0x69: {  	_ =	shalt  }
0x6a: {  	_ =	shalt  }
0x6b: {  	_ =	shalt  }
0x6c: {  	_ =	shalt  }
0x6d: {  	_ =	shalt  }
0x6e: {  	_ =	shalt  }
0x6f: {  	_ =	shalt  }
0x70: {  	_ =	shalt  }
0x71: {  	_ =	shalt  }
0x72: {  	_ =	shalt  }
0x73: {  	_ =	shalt  }
0x74: {  	_ =	shalt  }
0x75: {  	_ =	shalt  }
0x76: {  	_ =	shalt  }
0x77: {  	_ =	shalt  }
0x78: {  	_ =	shalt  }
0x79: {  	_ =	shalt  }
0x7a: {  	_ =	shalt  }
0x7b: {  	_ =	shalt  }
0x7c: {  	_ =	shalt  }
0x7d: {  	_ =	shalt  }
0x7e: {  	_ =	shalt  }
0x7f: {  	_ =	shalt  }
0x80: {  	_ =	shalt  }
0x81: {  	_ =	shalt  }
0x82: {  	_ =	shalt  }
0x83: {  	_ =	shalt  }
0x84: {  	_ =	shalt  }
0x85: {  	_ =	shalt  }
0x86: {  	_ =	shalt  }
0x87: {  	_ =	shalt  }
.Lfunc_end0:
.L_simem_size_0:
called_computation_lowered:
.L_overlay_start_0:
0x88: {  	s2 =	sld [smem:$0x3FD9]  }
0x89: {  	s3 =	sld [smem:$0x3FFE];
	_ =	sdelay $0x1  }
0x8a: {  	s1 =	srdreg.scid  }
0x8b: {  	s0 =	sand.u32 $0x1, s1  }
0x8c: {  	s17 =	sshll.u32 s0, $0xA;
	s2 =	sadd.s32 s3, s2  }
0x8d: {  	s2 =	sadd.s32 s2, s17  }
0x8e: {  	[smem:$0x3FC2] =	sst s2  }
0x8f: {  	_ = 	snop  }
0x90: {  	s2 =	sld [smem:$0x3FD0];
	(tm) =	ssettm $0x1  }
0x91: {  	s18 =	sld [smem:$0x3FFB];
	_ =	sdelay $0x3  }
0x92: {  	_ =	strace s18  }
0x93: {  	s3 =	sld [smem:$0x3FFC];
	_ =	sdelay $0x3  }
0x94: {  	_ =	strace s3  }
0x95: {  	s3 =	sld [smem:$0x3FFD];
	_ =	sdelay $0x3  }
0x96: {  	_ =	strace s3  }
0x97: {  	_ =	strace $0x8FFFFFFF  }
0x98: {  	s19 =	sld [smem:$0x3FDB];
	_ =	sdelay $0x1  }
0x99: {  	s4 =	simm.s32 $_scs_section_size  }
0x9a: {  	s5 =	simm.s32 $_size__tile_overlayer_lowered;
	s6 =	simm.s32 $_tile_overlayer_lowered  }
0x9b: {  	s22 =	simm.s32 $0x1BFF;
	s21 =	sshll.u32 s6, $0x1;
	s3 =	sadd.s32 s4, s19  }
0x9c: {  	s7 =	simm.s32 $0x0;
	s20 =	sshll.u32 s5, $0x1;
	s5 =	sadd.s32 s21, s3  }
0x9d: {  	[timem:s7], [sflag:s22] =	dma.local [hbm:s5], s20  }
0x9e: {  	_ =	swait.ge [sflag:s22], s20  }
0x9f: {  	s4 =	ssub.s32 $0x0, s20;
	[sflag:s22] =	ssyncset.done $0x0  }
0xa0: {  	[sflag:s22] =	ssyncadd.s32 s4;
	_ =	sdelay $0x1  }
0xa1: {  	s23 =	simm.s32 $0x1B8B  }
0xa2: {  	_ =	swait.ge [sflag:s23], $0x1  }
0xa3: {  	[sflag:s23] =	ssyncset.done $0x0  }
0xa4: {  	s25 =	simm.s32 $0x1B8E;
	s24 =	sld [smem:$0x3FFE];
	[sflag:s23] =	ssyncadd.s32 $0xFFFFFFFF  }
0xa5: {  	s26 =	simm.s32 $execute0_lowered;
	[smem:$0x3FD2] =	sst s25  }
0xa6: {  	s5 =	sshll.u32 s26, $0x1;
	_ =	strace $0x80000046;
	[dreg:$0x1] =	wrdreg $0xFFFFFFFF  }
0xa7: {  	s28 =	simm.s32 $_size_execute0_lowered;
	s3 =	sadd.s32 s3, s5;
	[dreg:$0x0] =	wrdreg $0x0  }
0xa8: {  	s5 =	sshll.u32 s28, $0x1;
	[dreg:$0x2] =	wrdreg s3  }
0xa9: {  	[dreg:$0x3] =	wrdreg s5  }
0xaa: {  	[dreg:$0x4] =	wrdreg $0xC0  }
0xab: {  	_ =	task [dreg:s7], $0x5FFFF  }
0xac: {  	[dreg:$0x1] =	wrdreg $0xFFFFFFFF  }
0xad: {  	[dreg:$0x0] =	wrdreg $0x60  }
0xae: {  	[dreg:$0x2] =	wrdreg s24  }
0xaf: {  	[dreg:$0x3] =	wrdreg s2  }
0xb0: {  	[dreg:$0x4] =	wrdreg $0x0  }
0xb1: {  	[dreg:$0x5] =	wrdreg $0x9  }
0xb2: {  	_ =	task.clear_ibuf [dreg:s7], $0x6FFFF;
	_ =	strace $0x90000046  }
0xb3: {  	s29 =	simm.s32 $0x9;
	_ =	strace $0x80000048  }
0xb4: {  	_ =	swait.ge [sflag:s29], $0x1  }
0xb5: {  	[sflag:s29] =	ssyncadd.s32 $0xFFFFFFFF  }
0xb6: {  	_ =	strace $0x90000048  }
0xb7: {  	_ =	sfence  }
0xb8: {  	s30 =	sld [smem:$0x0];
	_ =	sdelay $0x2  }
0xb9: {  	s31 =	sshll.u32 s1, $0xD;
	s1 =	sshrl.u32 s1, $0x2  }
0xba: {  	s3 =	sand.u32 $0x4000, s31;
	s1 =	sadd.s32 s1, s30  }
0xbb: {  	s0 =	sor.u32 s3, s0;
	s1 =	sshll.u32 s1, $0x11  }
0xbc: {  	s0 =	sor.u32 s1, s0  }
0xbd: {  	s0 =	sadd.s32 $0x8F2B, s0  }
0xbe: {  	[sflag:s0] =	ssyncadd.remote.s32 $0x1  }
0xbf: {  	_ =	sfence.sel $0xFFFF  }
0xc0: {  	[dreg:$0x0] =	wrdreg $0xFFFFFFFF;
	(pc) =	sbr.abs _section_cstart, $3  }
0xc1: {  	[dreg:$0x1] =	wrdreg $0xFFFFFFFF  }
0xc2: {  	_ =	task.clear_ibuf [dreg:s7], $0x2FFFF;
	_ =	strace $0x9FFFFFFF  }
0xc3: {  	(tm) =	ssettm $0x7FFFFFFF  }
tec
execute0_lowered:
.L_overlay_start_1:
0x0: {  	(tag) =	ssettag $0x1  }
0x1: {  	s3 =	rddreg [dreg:$0x0]  }
0x2: {  	s8 =	rddreg [dreg:$0x1]  }
0x3: {  	s1 =	rddreg [dreg:$0x2]  }
0x4: {  	s0 =	rddreg [dreg:$0x3];
	s14 =	stileid.u32  }
0x5: {  	s2 =	simm.s32 $0x0;
	s5 =	srdreg.scid;
	s13 =	simm.s32 $0x280  }
0x6: {  	s16 =	simm.s32 $0x0;
	s4 =	smul.u32 $0x500, s14;
	[smem:$0x7FF] =	sst s2  }
0x7: {  	s6 =	smul.u32 $0x280, s14;
	s7 =	sand.u32 $0x1, s5;
	s31 =	sshll.u32 s14, $0x6  }
0x8: {  	p1 =	sne.s32 s14, $0x0;
	s14 =	simm.s32 $0x80;
	_ =	strace $0x80000047  }
0x9: {  	s5 =	ssub.s32 $0x2, s7;
	p0 =	seq.s32 s7, $0x1;
	s12 =	sshll.u32 s7, $0x4  }
0xa: {  	s15 =	sshrl.u32 @!p1 s1, $0x3;
	s9 =	sadd.s32 s4, s3;
	s30 =	sshrl.u32 s6, $0x3  }
.Ltmp0:
0xb: {  	s10 =	sshrl.u32 s5, $0x1;
	s11 =	sadd.s32 s6, s1;
	(pc) =	sbr.rel .LBB2_1-.Ltmp0, $4  }
0xc: {  	s8 =	sadd.s32 s8, s12;
	s12 =	simm.s32 $0x2A80;
	s4 =	sadd.s32 s30, s3  }
0xd: {  	s3 =	sadd.s32 $0xC800, s3;
	s10 =	ssub.s32 s5, s10;
	s5 =	sor.u32 $0x1C01, s31  }
0xe: {  	s6 =	sadd.s32 $0x7800, s9;
	s7 =	sadd.s32 $0x2800, s9;
	s4 =	sadd.s32 $0xCA00, s4  }
0xf: {  	s9 =	smax.u32 s10, $0x1;
	s10 =	sshrl.u32 s11, $0x3;
	s11 =	simm.s32 $0x1  }
.LBB2_7:
0x10: {  	[sflag:s11] =	ssyncset.done $0x0  }
0x11: {  	[sflag:s11] =	ssyncadd.s32 $0xFFFFFF80  }
.LBB2_8:
0x12: {  	s16 =	sadd.s32 $0x1, s16  }
0x13: {  	[bflag:$0x0] =	sbarrier.arrive $0xFFFF;
	s17 =	simm.s32 @!p1 $0x1;
	p2 =	sne.s32 s16, s9  }
.Ltmp1:
0x14: {  	s18 =	simm.s32 @!p1 $0x20;
	s19 =	simm.s32 @!p1 $0x10;
	(pc) =	sbr.rel @!p2 .LBB2_9-.Ltmp1, $4  }
0x15: {  	[hbm:s8@s18], [sflag:s5] =	dma.strided @!p1 [spmem:s15@s19], $0x500, s17, $0x10   }
0x16: {  	_ =	swait.ge @!p1 [sflag:s17], $0x500  }
0x17: {  	[sflag:s17] =	ssyncset.done @!p1 $0x0  }
0x18: {  	[sflag:s17] =	ssyncadd.s32 @!p1 $0xFFFFFB00  }
.LBB2_1:
0x19: {  	[spmem:s10], [sflag:s5] =	dma.local [hbm:s4], $0x50  }
0x1a: {  	_ =	swait.ge [sflag:s11], $0x50  }
0x1b: {  	[sflag:s11] =	ssyncset.done $0x0  }
.Ltmp2:
0x1c: {  	[sflag:s11] =	ssyncadd.s32 $0xFFFFFFB0;
	(pc) =	sbr.rel @!p0 .LBB2_2-.Ltmp2, $4  }
0x1d: {  	[tilespmem:s12], [sflag:$0x1] =	stream.linear.gather [hbm4b:s3+s2], $0x80, $0x38;
	[tilespmem:$0x2B00] =	vst v63  }
0x1e: {  	_ =	swait.ge [sflag:s11], $0x80  }
0x1f: {  	[sflag:s11] =	ssyncset.done $0x0  }
0x20: {  	s17 =	simm.s32 $0x0;
	[sflag:s11] =	ssyncadd.s32 $0xFFFFFF80  }
0x21: {  	[tilespmem:s13], [sflag:$0x1] =	stream.linear.gather [hbm4b:s7+s17], $0x2800, $0x38;
	[tilespmem:$0x2B00] =	vst v63  }
0x22: {  	_ =	swait.ge [sflag:s11], $0x2800  }
0x23: {  	[sflag:s11] =	ssyncset.done $0x0  }
0x24: {  	[sflag:s11] =	ssyncadd.s32 $0xFFFFD800  }
0x25: {  	s31 =	simm.s32 $0x280;
	[bflag:$0x0] =	sbarrier.arrive $0xFFFF  }
0x26: {  	[spmem:s1] =	stream.indirect.scatter.add.f32 [tilespmem:s12], [sflag:$0x1], $0x1, s31, s14, $0xb8;
	[tilespmem:$0x2B00] =	vst v63  }
0x27: {  	s17 =	simm.s32 $0x200;
	_ =	swait.ge [sflag:s11], $0x80  }
.LBB2_6:
0x28: {  	s18 =	sshra.s32 s17, $0x2;
	[sflag:s11] =	ssyncset.done $0x0;
	p2 =	sne.s32 s17, $0x9E00  }
.Ltmp3:
0x29: {  	s18 =	sadd.s32 $0x280, s18;
	[sflag:s11] =	ssyncadd.s32 $0xFFFFFF80;
	(pc) =	sbr.rel @p2 .LBB2_6-.Ltmp3, $3  }
0x2a: {  	[spmem:s1] =	stream.indirect.scatter.add.f32 [tilespmem:s12], [sflag:$0x1], $0x1, s18, s14, $0xb8;
	[tilespmem:$0x2B00] =	vst v63  }
0x2b: {  	s17 =	sadd.s32 $0x200, s17;
	_ =	sdelay $0x1  }
0x2c: {  	_ =	swait.ge [sflag:s11], $0x80  }
.Ltmp4:
0x2d: {  	_ = 	snop;
	(pc) =	sbr.rel .LBB2_7-.Ltmp4, $1  }
0x2e: {  	_ =	sdelay $0x3  }
.LBB2_2:
0x2f: {  	[tilespmem:s13], [sflag:$0x1] =	stream.linear.gather [hbm4b:s6+s17], $0x2800, $0x38;
	[tilespmem:$0x2B00] =	vst v63  }
0x30: {  	_ =	swait.ge [sflag:s11], $0x2800  }
0x31: {  	[sflag:s11] =	ssyncset.done $0x0  }
0x32: {  	[sflag:s11] =	ssyncadd.s32 $0xFFFFD800  }
0x33: {  	s31 =	simm.s32 $0x280;
	[bflag:$0x0] =	sbarrier.arrive $0xFFFF  }
0x34: {  	[spmem:s1] =	stream.indirect.scatter.add.f32 [tilespmem:s12], [sflag:$0x1], $0x1, s31, s14, $0xb8;
	[tilespmem:$0x2B00] =	vst v63  }
0x35: {  	s17 =	simm.s32 $0x200;
	_ =	swait.ge [sflag:s11], $0x80  }
.LBB2_3:
0x36: {  	s18 =	sshra.s32 s17, $0x2;
	[sflag:s11] =	ssyncset.done $0x0;
	p2 =	seq.s32 s17, $0x9E00  }
.Ltmp5:
0x37: {  	s18 =	sadd.s32 $0x280, s18;
	[sflag:s11] =	ssyncadd.s32 $0xFFFFFF80;
	(pc) =	sbr.rel @!p2 .LBB2_3-.Ltmp5, $3  }
0x38: {  	[spmem:s1] =	stream.indirect.scatter.add.f32 [tilespmem:s12], [sflag:$0x1], $0x1, s18, s14, $0xb8;
	[tilespmem:$0x2B00] =	vst v63  }
0x39: {  	s17 =	sadd.s32 $0x200, s17;
	_ =	sdelay $0x1  }
0x3a: {  	_ =	swait.ge [sflag:s11], $0x80  }
.Ltmp6:
0x3b: {  	(pc) =	sbr.rel .LBB2_8-.Ltmp6, $3  }
0x3c: {  	_ =	sdelay $0x1  }
0x3d: {  	[sflag:s11] =	ssyncset.done $0x0  }
0x3e: {  	[sflag:s11] =	ssyncadd.s32 $0xFFFFFF80  }
.LBB2_9:
0x3f: {  	_ =	sfence.sel $0x180000  }
0x40: {  	[bflag:$0x0] =	sbarrier.arrive $0xFFFF  }
0x41: {  	_ =	strace $0x90000047  }
0x42: {  	s0 =	sadd.s32 @!p1 $0x100000, s0;
	[bflag:$0x2] =	sbarrier.arrive $0xFFFF  }
0x43: {  	[sflag:s0] =	ssyncadd.tile.s32 @!p1 $0x1;
	_ =	shalt  }
.Lfunc_end2:
_tile_overlayer_lowered:
.L_overlay_start_2:
0x44: {  	(tag) =	ssettag $0x2  }
0x45: {  	s0 =	rddreg [dreg:$0x0];
	s2 =	stileid.u32  }
0x46: {  	s1 =	rddreg [dreg:$0x1];
	p0 =	sne.s32 s2, $0x0  }
0x47: {  	s3 =	rddreg [dreg:$0x2];
	[bflag:$0x3] =	sbarrier.arrive $0xFFFF;
	s2 =	simm.s32 @!p0 $0x1C01  }
0x48: {  	[timem:s3], [sflag:s2] =	dma.local @!p0 [hbm:s0], s1  }
0x49: {  	s0 =	simm.s32 @!p0 $0x1  }
0x4a: {  	_ =	swait.ge @!p0 [sflag:s0], s1  }
0x4b: {  	s1 =	ssub.s32 @!p0 $0x0, s1;
	[sflag:s0] =	ssyncset.done @!p0 $0x0  }
0x4c: {  	[sflag:s0] =	ssyncadd.s32 @!p0 s1  }
0x4d: {  	[bflag:$0x3] =	sbarrier.arrive $0xFFFF  }
0x4e: {  	_ =	shalt  }

</sc_bundles>
